<compile_context>
chip_gen: v7x
topology: tpu7x:2x2x1
jax: 0.10.2.dev20260603
libtpu: 0.0.44.dev20260713+nightly
codegen_flags: <defaults>
</compile_context>

<pallas_src>
import functools

import jax
import jax.numpy as jnp
from jax import lax
from jax.experimental import pallas as pl
from jax.experimental.pallas import tpu as pltpu
from jax.experimental.pallas import tpu_sc as plsc

N_MOL = 16384
N_MOTIF = 512
D = 256
B = 8
K = 8
TN = 8192

_SC_INFO = plsc.get_sparse_core_info()
_NC = _SC_INFO.num_cores
_L = _SC_INFO.num_lanes


def _sc_motif_gather_body(mbi_hbm, motif_hbm, out_hbm, idx_v, ones_v,
                          hist_sh, pref_sh, histv, prefv, shift_v, sel_v,
                          rows_v, sem):
    wid = lax.axis_index("s") * _NC + lax.axis_index("c")

    @pl.when(wid == 0)
    def _work():
        pltpu.sync_copy(mbi_hbm, idx_v)
        lane = lax.iota(jnp.int32, _L)
        zero = jnp.zeros((_L,), jnp.int32)
        one = zero + 1
        histv[...] = zero
        pltpu.sync_copy(histv, hist_sh)
        pltpu.sync_copy(histv, pref_sh)
        for c in range(N_MOTIF // _L):
            ones_v[pl.ds(c * _L, _L)] = one
        pltpu.async_copy(ones_v, hist_sh.at[idx_v], sem, add=True).wait()
        pltpu.sync_copy(hist_sh, histv)
        descs = []
        for t in range(1, B):
            tgt = jnp.minimum(lane + t, _L - 1)
            descs.append(
                pltpu.async_copy(histv, pref_sh.at[tgt], sem, add=True))
        for d in descs:
            d.wait()
        pltpu.sync_copy(pref_sh, prefv)
        v1 = prefv[...] * jnp.clip(B - lane, 0, 1)
        shift_v[pl.ds(0, _L)] = zero
        shift_v[pl.ds(B, _L)] = v1
        offs = v1 + shift_v[pl.ds(0, _L)]
        for g in range(B * K // _L):
            k_vec = 2 * g + lax.shift_right_logical(lane, 3)
            sel_v[pl.ds(g * _L, _L)] = jnp.minimum(offs + k_vec, N_MOTIF - 1)
        pltpu.async_copy(motif_hbm.at[sel_v], rows_v, sem).wait()
        pltpu.sync_copy(rows_v, out_hbm)


def _sc_motif_gather(motif_batch_indices, motif_atom_hiddens):
    mesh = plsc.VectorSubcoreMesh(core_axis_name="c", subcore_axis_name="s")
    run = functools.partial(
        pl.kernel,
        mesh=mesh,
        out_type=jax.ShapeDtypeStruct((B * K, D), jnp.float32),
        scratch_types=[
            pltpu.VMEM((N_MOTIF,), jnp.int32),
            pltpu.VMEM((N_MOTIF,), jnp.int32),
            pltpu.VMEM_SHARED((_L,), jnp.int32),
            pltpu.VMEM_SHARED((_L,), jnp.int32),
            pltpu.VMEM((_L,), jnp.int32),
            pltpu.VMEM((_L,), jnp.int32),
            pltpu.VMEM((_L + B,), jnp.int32),
            pltpu.VMEM((B * K,), jnp.int32),
            pltpu.VMEM((B * K, D), jnp.float32),
            pltpu.SemaphoreType.DMA,
        ],
    )(_sc_motif_gather_body)
    return run(motif_batch_indices, motif_atom_hiddens)


def _tc_body(x_ref, seg_ref, msel_ref, w1_ref, wc_ref, b_ref,
             attach_ref, out_ref, ta_ref, tm_ref):
    pid = pl.program_id(0)

    @pl.when(pid == 0)
    def _build_tables():
        blocks = []
        for k in range(K):
            blocks.append(jax.lax.dot(msel_ref[B * k:B * (k + 1), :],
                                      w1_ref[...],
                                      preferred_element_type=jnp.float32))
        a = jnp.concatenate(blocks, axis=1)
        b_rep = jnp.concatenate([b_ref[...]] * K, axis=1)
        ta_ref[...] = a + b_rep
        r8 = jax.lax.broadcasted_iota(jnp.int32, (K, K * 4), 0)
        c32 = jax.lax.broadcasted_iota(jnp.int32, (K, K * 4), 1) // 4
        expand = (r8 == c32).astype(jnp.float32)
        tm_ref[...] = jax.lax.dot(attach_ref[...], expand,
                                  preferred_element_type=jnp.float32)

    seg = seg_ref[...]
    lanes = jax.lax.broadcasted_iota(jnp.int32, (TN, B), 1)
    oh = (seg == lanes).astype(jnp.float32)
    arows = jax.lax.dot(oh, ta_ref[...], preferred_element_type=jnp.float32)
    mrows = jax.lax.dot(oh, tm_ref[...], preferred_element_type=jnp.float32)
    acc = jax.lax.dot(x_ref[...], wc_ref[...],
                      preferred_element_type=jnp.float32)
    out_ref[...] = jnp.maximum(acc + arows, 0.0) * mrows


@jax.jit
def kernel(mol_atom_hiddens, mol_batch_indices, motif_atom_hiddens,
           motif_batch_indices, selected_attachments, W, b):
    n = mol_atom_hiddens.shape[0]
    grid = n // TN
    w1 = W[:D, :]
    w2 = W[D:, :]
    wc = jnp.tile(w2, (1, K))
    seg_col = mol_batch_indices.reshape(n, 1)
    attach_f = selected_attachments.astype(jnp.float32)
    b_row = b.reshape(1, 4)

    motif_sel = _sc_motif_gather(motif_batch_indices, motif_atom_hiddens)

    out32 = pl.pallas_call(
        _tc_body,
        grid=(grid,),
        in_specs=[
            pl.BlockSpec((TN, D), lambda i: (i, 0)),
            pl.BlockSpec((TN, 1), lambda i: (i, 0)),
            pl.BlockSpec((B * K, D), lambda i: (0, 0)),
            pl.BlockSpec((D, 4), lambda i: (0, 0)),
            pl.BlockSpec((D, K * 4), lambda i: (0, 0)),
            pl.BlockSpec((1, 4), lambda i: (0, 0)),
            pl.BlockSpec((B, K), lambda i: (0, 0)),
        ],
        out_specs=pl.BlockSpec((TN, K * 4), lambda i: (i, 0)),
        out_shape=jax.ShapeDtypeStruct((n, K * 4), jnp.float32),
        scratch_shapes=[
            pltpu.VMEM((B, K * 4), jnp.float32),
            pltpu.VMEM((B, K * 4), jnp.float32),
        ],
        compiler_params=pltpu.CompilerParams(
            dimension_semantics=("arbitrary",),
        ),
    )(mol_atom_hiddens, seg_col, motif_sel, w1, wc, b_row, attach_f)

    return out32.reshape(n, K, 4)

# --- scband reference (transcript-rebuilt; emitter-appended) ---
"""Pipeline reference for scband-select-mol-bond-61014305407230 (READ-ONLY COPY).

The authoritative reference and input builder live on the scoring server;
editing this copy changes nothing except your own understanding.
"""

import jax, jax.numpy as jnp
import numpy as np

B = 8
K = 8  # max_atoms_per_motif
D = 256
N_MOL = 16384
N_MOTIF = 512


def exclusive_prefix_sum(x):
    c = jnp.cumsum(x)
    return jnp.concatenate([jnp.zeros((1,), dtype=c.dtype), c[:-1]])


def setup_inputs(seed: int = 0) -> dict:
    key = jax.random.key(seed)
    ks = jax.random.split(key, 7)
    mol_atom_hiddens = jax.random.normal(ks[0], (N_MOL, D), dtype=jnp.float32)
    mol_batch_indices = jnp.sort(jax.random.randint(ks[1], (N_MOL,), 0, B, dtype=jnp.int32))
    motif_atom_hiddens = jax.random.normal(ks[2], (N_MOTIF, D), dtype=jnp.float32)
    motif_batch_indices = jnp.sort(jax.random.randint(ks[3], (N_MOTIF,), 0, B, dtype=jnp.int32))
    selected_attachments = jnp.ones((B, K), dtype=bool)
    # learned params of _pick_bond_mlp: Linear(2*D, 4) + ReLU
    W = jax.random.normal(ks[4], (2 * D, 4), dtype=jnp.float32) * 0.02
    b = jnp.zeros((4,), dtype=jnp.float32)
    return {
        "mol_atom_hiddens": mol_atom_hiddens,
        "mol_batch_indices": mol_batch_indices,
        "motif_atom_hiddens": motif_atom_hiddens,
        "motif_batch_indices": motif_batch_indices,
        "selected_attachments": selected_attachments,
        "W": W,
        "b": b,
    }


def reference(mol_atom_hiddens, mol_batch_indices, motif_atom_hiddens,
              motif_batch_indices, selected_attachments, W, b):
    # motif segment lengths and exclusive-prefix-sum offsets (unique_consecutive equivalent
    # for sorted batch indices)
    Bq, Kq = selected_attachments.shape
    motif_counts = jnp.bincount(motif_batch_indices, length=Bq)
    motif_offsets = exclusive_prefix_sum(motif_counts)
    # For each batch b and attachment slot k: index of the k-th atom of the selected motif
    sel_idx = motif_offsets[:, None] + jnp.arange(Kq, dtype=motif_offsets.dtype)[None, :]  # [B, K]
    sel_idx = jnp.clip(sel_idx, 0, motif_atom_hiddens.shape[0] - 1)
    motif_sel = motif_atom_hiddens[sel_idx]              # [B, K, D] gather
    per_atom_motif = motif_sel[mol_batch_indices]        # [N, K, D] gather by segment id
    mol_exp = jnp.broadcast_to(mol_atom_hiddens[:, None, :], per_atom_motif.shape)
    mlp_in = jnp.concatenate([per_atom_motif, mol_exp], axis=-1)  # [N, K, 2D]
    mlp_out = jax.nn.relu(mlp_in @ W + b)                # [N, K, 4]
    # slots whose attachment is not selected stay zero (as in the torch zeros init)
    attach = selected_attachments[mol_batch_indices].astype(mlp_out.dtype)  # [N, K]
    selected_mol_bonds = mlp_out * attach[:, :, None]
    return selected_mol_bonds

if __name__ == "__main__":
    import jax
    _d = setup_inputs()
    print(jax.jit(kernel)(*tuple(_d.values())))

</pallas_src>

<mosaic_0001>
#map = affine_map<(d0, d1) -> (0)>
#map1 = affine_map<(d0, d1) -> (0, 0)>
module attributes {stable_mosaic.version = 14 : i64} {
  func.func @_sc_motif_gather_body(%arg0: i32, %arg1: i32, %arg2: memref<512xi32, #tpu.memory_space<hbm>>, %arg3: memref<512x256xf32, #tpu.memory_space<hbm>>, %arg4: memref<64x256xf32, #tpu.memory_space<hbm>>, %arg5: memref<512xi32, #tpu.memory_space<vmem>>, %arg6: memref<512xi32, #tpu.memory_space<vmem>>, %arg7: memref<16xi32, #tpu.memory_space<vmem_shared>>, %arg8: memref<16xi32, #tpu.memory_space<vmem_shared>>, %arg9: memref<16xi32, #tpu.memory_space<vmem>>, %arg10: memref<16xi32, #tpu.memory_space<vmem>>, %arg11: memref<24xi32, #tpu.memory_space<vmem>>, %arg12: memref<64xi32, #tpu.memory_space<vmem>>, %arg13: memref<64x256xf32, #tpu.memory_space<vmem>>, %arg14: memref<!tpu.dma_semaphore, #tpu.memory_space<semaphore_mem>>) attributes {dimension_semantics = [#tpu.dimension_semantics<core_parallel>, #tpu.dimension_semantics<subcore_parallel>], iteration_bounds = array<i64: 2, 16>, scalar_prefetch = 0 : i64, scratch_operands = 10 : i64, tpu.core_type = #tpu.core_type<sc_vector_subcore>, window_params = [{transform_indices = #map}, {transform_indices = #map1}, {transform_indices = #map1}]} {
    %mul3A = arith.constant 2 : i32
    %mul3A_0 = arith.muli %arg1, %mul3A : i32
    %add3A = arith.addi %mul3A_0, %arg0 : i32
    %eq3A = arith.constant 0 : i32
    %eq3A_1 = arith.cmpi eq, %add3A, %eq3A : i32
    %convert_element_type3A = arith.extui %eq3A_1 : i1 to i32
    %cond3A = arith.constant 0 : i32
    %cond3A_2 = arith.cmpi ne, %convert_element_type3A, %cond3A : i32
    scf.if %cond3A_2 {
      "tpu.region"() ({
        %run_scoped3A = tpu.sem_alloc : memref<!tpu.dma_semaphore, #tpu.memory_space<semaphore_mem>>
        tpu.enqueue_dma source(%arg2 : memref<512xi32, #tpu.memory_space<hbm>>) target(%arg5 : memref<512xi32, #tpu.memory_space<vmem>>) target_semaphore(%run_scoped3A : memref<!tpu.dma_semaphore, #tpu.memory_space<semaphore_mem>>)
        tpu.wait_dma2 semaphore(%run_scoped3A : memref<!tpu.dma_semaphore, #tpu.memory_space<semaphore_mem>>) src(%arg2 : memref<512xi32, #tpu.memory_space<hbm>>) dst(%arg5 : memref<512xi32, #tpu.memory_space<vmem>>)
        tpu.yield
      }) : () -> ()
      %iota3A = tpu.iota {dimensions = array<i32: 0>} : vector<16xi32>
      %broadcast_in_dim3A = arith.constant 0 : i32
      %broadcast_in_dim3A_3 = vector.broadcast %broadcast_in_dim3A : i32 to vector<16xi32>
      %add3A_4 = arith.constant 1 : i32
      %add3A_5 = vector.broadcast %add3A_4 : i32 to vector<16xi32>
      %add3A_6 = arith.addi %broadcast_in_dim3A_3, %add3A_5 : vector<16xi32>
      %swap3A = arith.constant 0 : index
      %swap3A_7 = tpu.vector_load %arg9[%swap3A] {strides = array<i32>} : memref<16xi32, #tpu.memory_space<vmem>>, vector<16xi32>,
      %swap3A_8 = vector.shape_cast %swap3A_7 : vector<16xi32> to vector<16xi32>
      %swap3A_9 = vector.shape_cast %broadcast_in_dim3A_3 : vector<16xi32> to vector<16xi32>
      tpu.vector_store %arg9[%swap3A], %swap3A_9 {strides = array<i32>} : memref<16xi32, #tpu.memory_space<vmem>>, vector<16xi32>,
      "tpu.region"() ({
        %run_scoped3A = tpu.sem_alloc : memref<!tpu.dma_semaphore, #tpu.memory_space<semaphore_mem>>
        tpu.enqueue_dma source(%arg9 : memref<16xi32, #tpu.memory_space<vmem>>) target(%arg7 : memref<16xi32, #tpu.memory_space<vmem_shared>>) target_semaphore(%run_scoped3A : memref<!tpu.dma_semaphore, #tpu.memory_space<semaphore_mem>>)
        tpu.wait_dma2 semaphore(%run_scoped3A : memref<!tpu.dma_semaphore, #tpu.memory_space<semaphore_mem>>) src(%arg9 : memref<16xi32, #tpu.memory_space<vmem>>) dst(%arg7 : memref<16xi32, #tpu.memory_space<vmem_shared>>)
        tpu.yield
      }) : () -> ()
      "tpu.region"() ({
        %run_scoped3A = tpu.sem_alloc : memref<!tpu.dma_semaphore, #tpu.memory_space<semaphore_mem>>
        tpu.enqueue_dma source(%arg9 : memref<16xi32, #tpu.memory_space<vmem>>) target(%arg8 : memref<16xi32, #tpu.memory_space<vmem_shared>>) target_semaphore(%run_scoped3A : memref<!tpu.dma_semaphore, #tpu.memory_space<semaphore_mem>>)
        tpu.wait_dma2 semaphore(%run_scoped3A : memref<!tpu.dma_semaphore, #tpu.memory_space<semaphore_mem>>) src(%arg9 : memref<16xi32, #tpu.memory_space<vmem>>) dst(%arg8 : memref<16xi32, #tpu.memory_space<vmem_shared>>)
        tpu.yield
      }) : () -> ()
      %swap3A_10 = arith.constant 0 : index
      %swap3A_11 = tpu.vector_load %arg6[%swap3A_10] {strides = array<i32>} : memref<512xi32, #tpu.memory_space<vmem>>, vector<16xi32>,
      %swap3A_12 = vector.shape_cast %swap3A_11 : vector<16xi32> to vector<16xi32>
      %swap3A_13 = vector.shape_cast %add3A_6 : vector<16xi32> to vector<16xi32>
      tpu.vector_store %arg6[%swap3A_10], %swap3A_13 {strides = array<i32>} : memref<512xi32, #tpu.memory_space<vmem>>, vector<16xi32>,
      %swap3A_14 = arith.constant 16 : index
      %swap3A_15 = tpu.vector_load %arg6[%swap3A_14] {strides = array<i32>} : memref<512xi32, #tpu.memory_space<vmem>>, vector<16xi32>,
      %swap3A_16 = vector.shape_cast %swap3A_15 : vector<16xi32> to vector<16xi32>
      %swap3A_17 = vector.shape_cast %add3A_6 : vector<16xi32> to vector<16xi32>
      tpu.vector_store %arg6[%swap3A_14], %swap3A_17 {strides = array<i32>} : memref<512xi32, #tpu.memory_space<vmem>>, vector<16xi32>,
      %swap3A_18 = arith.constant 32 : index
      %swap3A_19 = tpu.vector_load %arg6[%swap3A_18] {strides = array<i32>} : memref<512xi32, #tpu.memory_space<vmem>>, vector<16xi32>,
      %swap3A_20 = vector.shape_cast %swap3A_19 : vector<16xi32> to vector<16xi32>
      %swap3A_21 = vector.shape_cast %add3A_6 : vector<16xi32> to vector<16xi32>
      tpu.vector_store %arg6[%swap3A_18], %swap3A_21 {strides = array<i32>} : memref<512xi32, #tpu.memory_space<vmem>>, vector<16xi32>,
      %swap3A_22 = arith.constant 48 : index
      %swap3A_23 = tpu.vector_load %arg6[%swap3A_22] {strides = array<i32>} : memref<512xi32, #tpu.memory_space<vmem>>, vector<16xi32>,
      %swap3A_24 = vector.shape_cast %swap3A_23 : vector<16xi32> to vector<16xi32>
      %swap3A_25 = vector.shape_cast %add3A_6 : vector<16xi32> to vector<16xi32>
      tpu.vector_store %arg6[%swap3A_22], %swap3A_25 {strides = array<i32>} : memref<512xi32, #tpu.memory_space<vmem>>, vector<16xi32>,
      %swap3A_26 = arith.constant 64 : index
      %swap3A_27 = tpu.vector_load %arg6[%swap3A_26] {strides = array<i32>} : memref<512xi32, #tpu.memory_space<vmem>>, vector<16xi32>,
      %swap3A_28 = vector.shape_cast %swap3A_27 : vector<16xi32> to vector<16xi32>
      %swap3A_29 = vector.shape_cast %add3A_6 : vector<16xi32> to vector<16xi32>
      tpu.vector_store %arg6[%swap3A_26], %swap3A_29 {strides = array<i32>} : memref<512xi32, #tpu.memory_space<vmem>>, vector<16xi32>,
      %swap3A_30 = arith.constant 80 : index
      %swap3A_31 = tpu.vector_load %arg6[%swap3A_30] {strides = array<i32>} : memref<512xi32, #tpu.memory_space<vmem>>, vector<16xi32>,
      %swap3A_32 = vector.shape_cast %swap3A_31 : vector<16xi32> to vector<16xi32>
      %swap3A_33 = vector.shape_cast %add3A_6 : vector<16xi32> to vector<16xi32>
      tpu.vector_store %arg6[%swap3A_30], %swap3A_33 {strides = array<i32>} : memref<512xi32, #tpu.memory_space<vmem>>, vector<16xi32>,
      %swap3A_34 = arith.constant 96 : index
      %swap3A_35 = tpu.vector_load %arg6[%swap3A_34] {strides = array<i32>} : memref<512xi32, #tpu.memory_space<vmem>>, vector<16xi32>,
      %swap3A_36 = vector.shape_cast %swap3A_35 : vector<16xi32> to vector<16xi32>
      %swap3A_37 = vector.shape_cast %add3A_6 : vector<16xi32> to vector<16xi32>
      tpu.vector_store %arg6[%swap3A_34], %swap3A_37 {strides = array<i32>} : memref<512xi32, #tpu.memory_space<vmem>>, vector<16xi32>,
      %swap3A_38 = arith.constant 112 : index
      %swap3A_39 = tpu.vector_load %arg6[%swap3A_38] {strides = array<i32>} : memref<512xi32, #tpu.memory_space<vmem>>, vector<16xi32>,
      %swap3A_40 = vector.shape_cast %swap3A_39 : vector<16xi32> to vector<16xi32>
      %swap3A_41 = vector.shape_cast %add3A_6 : vector<16xi32> to vector<16xi32>
      tpu.vector_store %arg6[%swap3A_38], %swap3A_41 {strides = array<i32>} : memref<512xi32, #tpu.memory_space<vmem>>, vector<16xi32>,
      %swap3A_42 = arith.constant 128 : index
      %swap3A_43 = tpu.vector_load %arg6[%swap3A_42] {strides = array<i32>} : memref<512xi32, #tpu.memory_space<vmem>>, vector<16xi32>,
      %swap3A_44 = vector.shape_cast %swap3A_43 : vector<16xi32> to vector<16xi32>
      %swap3A_45 = vector.shape_cast %add3A_6 : vector<16xi32> to vector<16xi32>
      tpu.vector_store %arg6[%swap3A_42], %swap3A_45 {strides = array<i32>} : memref<512xi32, #tpu.memory_space<vmem>>, vector<16xi32>,
      %swap3A_46 = arith.constant 144 : index
      %swap3A_47 = tpu.vector_load %arg6[%swap3A_46] {strides = array<i32>} : memref<512xi32, #tpu.memory_space<vmem>>, vector<16xi32>,
      %swap3A_48 = vector.shape_cast %swap3A_47 : vector<16xi32> to vector<16xi32>
      %swap3A_49 = vector.shape_cast %add3A_6 : vector<16xi32> to vector<16xi32>
      tpu.vector_store %arg6[%swap3A_46], %swap3A_49 {strides = array<i32>} : memref<512xi32, #tpu.memory_space<vmem>>, vector<16xi32>,
      %swap3A_50 = arith.constant 160 : index
      %swap3A_51 = tpu.vector_load %arg6[%swap3A_50] {strides = array<i32>} : memref<512xi32, #tpu.memory_space<vmem>>, vector<16xi32>,
      %swap3A_52 = vector.shape_cast %swap3A_51 : vector<16xi32> to vector<16xi32>
      %swap3A_53 = vector.shape_cast %add3A_6 : vector<16xi32> to vector<16xi32>
      tpu.vector_store %arg6[%swap3A_50], %swap3A_53 {strides = array<i32>} : memref<512xi32, #tpu.memory_space<vmem>>, vector<16xi32>,
      %swap3A_54 = arith.constant 176 : index
      %swap3A_55 = tpu.vector_load %arg6[%swap3A_54] {strides = array<i32>} : memref<512xi32, #tpu.memory_space<vmem>>, vector<16xi32>,
      %swap3A_56 = vector.shape_cast %swap3A_55 : vector<16xi32> to vector<16xi32>
      %swap3A_57 = vector.shape_cast %add3A_6 : vector<16xi32> to vector<16xi32>
      tpu.vector_store %arg6[%swap3A_54], %swap3A_57 {strides = array<i32>} : memref<512xi32, #tpu.memory_space<vmem>>, vector<16xi32>,
      %swap3A_58 = arith.constant 192 : index
      %swap3A_59 = tpu.vector_load %arg6[%swap3A_58] {strides = array<i32>} : memref<512xi32, #tpu.memory_space<vmem>>, vector<16xi32>,
      %swap3A_60 = vector.shape_cast %swap3A_59 : vector<16xi32> to vector<16xi32>
      %swap3A_61 = vector.shape_cast %add3A_6 : vector<16xi32> to vector<16xi32>
      tpu.vector_store %arg6[%swap3A_58], %swap3A_61 {strides = array<i32>} : memref<512xi32, #tpu.memory_space<vmem>>, vector<16xi32>,
      %swap3A_62 = arith.constant 208 : index
      %swap3A_63 = tpu.vector_load %arg6[%swap3A_62] {strides = array<i32>} : memref<512xi32, #tpu.memory_space<vmem>>, vector<16xi32>,
      %swap3A_64 = vector.shape_cast %swap3A_63 : vector<16xi32> to vector<16xi32>
      %swap3A_65 = vector.shape_cast %add3A_6 : vector<16xi32> to vector<16xi32>
      tpu.vector_store %arg6[%swap3A_62], %swap3A_65 {strides = array<i32>} : memref<512xi32, #tpu.memory_space<vmem>>, vector<16xi32>,
      %swap3A_66 = arith.constant 224 : index
      %swap3A_67 = tpu.vector_load %arg6[%swap3A_66] {strides = array<i32>} : memref<512xi32, #tpu.memory_space<vmem>>, vector<16xi32>,
      %swap3A_68 = vector.shape_cast %swap3A_67 : vector<16xi32> to vector<16xi32>
      %swap3A_69 = vector.shape_cast %add3A_6 : vector<16xi32> to vector<16xi32>
      tpu.vector_store %arg6[%swap3A_66], %swap3A_69 {strides = array<i32>} : memref<512xi32, #tpu.memory_space<vmem>>, vector<16xi32>,
      %swap3A_70 = arith.constant 240 : index
      %swap3A_71 = tpu.vector_load %arg6[%swap3A_70] {strides = array<i32>} : memref<512xi32, #tpu.memory_space<vmem>>, vector<16xi32>,
      %swap3A_72 = vector.shape_cast %swap3A_71 : vector<16xi32> to vector<16xi32>
      %swap3A_73 = vector.shape_cast %add3A_6 : vector<16xi32> to vector<16xi32>
      tpu.vector_store %arg6[%swap3A_70], %swap3A_73 {strides = array<i32>} : memref<512xi32, #tpu.memory_space<vmem>>, vector<16xi32>,
      %swap3A_74 = arith.constant 256 : index
      %swap3A_75 = tpu.vector_load %arg6[%swap3A_74] {strides = array<i32>} : memref<512xi32, #tpu.memory_space<vmem>>, vector<16xi32>,
      %swap3A_76 = vector.shape_cast %swap3A_75 : vector<16xi32> to vector<16xi32>
      %swap3A_77 = vector.shape_cast %add3A_6 : vector<16xi32> to vector<16xi32>
      tpu.vector_store %arg6[%swap3A_74], %swap3A_77 {strides = array<i32>} : memref<512xi32, #tpu.memory_space<vmem>>, vector<16xi32>,
      %swap3A_78 = arith.constant 272 : index
      %swap3A_79 = tpu.vector_load %arg6[%swap3A_78] {strides = array<i32>} : memref<512xi32, #tpu.memory_space<vmem>>, vector<16xi32>,
      %swap3A_80 = vector.shape_cast %swap3A_79 : vector<16xi32> to vector<16xi32>
      %swap3A_81 = vector.shape_cast %add3A_6 : vector<16xi32> to vector<16xi32>
      tpu.vector_store %arg6[%swap3A_78], %swap3A_81 {strides = array<i32>} : memref<512xi32, #tpu.memory_space<vmem>>, vector<16xi32>,
      %swap3A_82 = arith.constant 288 : index
      %swap3A_83 = tpu.vector_load %arg6[%swap3A_82] {strides = array<i32>} : memref<512xi32, #tpu.memory_space<vmem>>, vector<16xi32>,
      %swap3A_84 = vector.shape_cast %swap3A_83 : vector<16xi32> to vector<16xi32>
      %swap3A_85 = vector.shape_cast %add3A_6 : vector<16xi32> to vector<16xi32>
      tpu.vector_store %arg6[%swap3A_82], %swap3A_85 {strides = array<i32>} : memref<512xi32, #tpu.memory_space<vmem>>, vector<16xi32>,
      %swap3A_86 = arith.constant 304 : index
      %swap3A_87 = tpu.vector_load %arg6[%swap3A_86] {strides = array<i32>} : memref<512xi32, #tpu.memory_space<vmem>>, vector<16xi32>,
      %swap3A_88 = vector.shape_cast %swap3A_87 : vector<16xi32> to vector<16xi32>
      %swap3A_89 = vector.shape_cast %add3A_6 : vector<16xi32> to vector<16xi32>
      tpu.vector_store %arg6[%swap3A_86], %swap3A_89 {strides = array<i32>} : memref<512xi32, #tpu.memory_space<vmem>>, vector<16xi32>,
      %swap3A_90 = arith.constant 320 : index
      %swap3A_91 = tpu.vector_load %arg6[%swap3A_90] {strides = array<i32>} : memref<512xi32, #tpu.memory_space<vmem>>, vector<16xi32>,
      %swap3A_92 = vector.shape_cast %swap3A_91 : vector<16xi32> to vector<16xi32>
      %swap3A_93 = vector.shape_cast %add3A_6 : vector<16xi32> to vector<16xi32>
      tpu.vector_store %arg6[%swap3A_90], %swap3A_93 {strides = array<i32>} : memref<512xi32, #tpu.memory_space<vmem>>, vector<16xi32>,
      %swap3A_94 = arith.constant 336 : index
      %swap3A_95 = tpu.vector_load %arg6[%swap3A_94] {strides = array<i32>} : memref<512xi32, #tpu.memory_space<vmem>>, vector<16xi32>,
      %swap3A_96 = vector.shape_cast %swap3A_95 : vector<16xi32> to vector<16xi32>
      %swap3A_97 = vector.shape_cast %add3A_6 : vector<16xi32> to vector<16xi32>
      tpu.vector_store %arg6[%swap3A_94], %swap3A_97 {strides = array<i32>} : memref<512xi32, #tpu.memory_space<vmem>>, vector<16xi32>,
      %swap3A_98 = arith.constant 352 : index
      %swap3A_99 = tpu.vector_load %arg6[%swap3A_98] {strides = array<i32>} : memref<512xi32, #tpu.memory_space<vmem>>, vector<16xi32>,
      %swap3A_100 = vector.shape_cast %swap3A_99 : vector<16xi32> to vector<16xi32>
      %swap3A_101 = vector.shape_cast %add3A_6 : vector<16xi32> to vector<16xi32>
      tpu.vector_store %arg6[%swap3A_98], %swap3A_101 {strides = array<i32>} : memref<512xi32, #tpu.memory_space<vmem>>, vector<16xi32>,
      %swap3A_102 = arith.constant 368 : index
      %swap3A_103 = tpu.vector_load %arg6[%swap3A_102] {strides = array<i32>} : memref<512xi32, #tpu.memory_space<vmem>>, vector<16xi32>,
      %swap3A_104 = vector.shape_cast %swap3A_103 : vector<16xi32> to vector<16xi32>
      %swap3A_105 = vector.shape_cast %add3A_6 : vector<16xi32> to vector<16xi32>
      tpu.vector_store %arg6[%swap3A_102], %swap3A_105 {strides = array<i32>} : memref<512xi32, #tpu.memory_space<vmem>>, vector<16xi32>,
      %swap3A_106 = arith.constant 384 : index
      %swap3A_107 = tpu.vector_load %arg6[%swap3A_106] {strides = array<i32>} : memref<512xi32, #tpu.memory_space<vmem>>, vector<16xi32>,
      %swap3A_108 = vector.shape_cast %swap3A_107 : vector<16xi32> to vector<16xi32>
      %swap3A_109 = vector.shape_cast %add3A_6 : vector<16xi32> to vector<16xi32>
      tpu.vector_store %arg6[%swap3A_106], %swap3A_109 {strides = array<i32>} : memref<512xi32, #tpu.memory_space<vmem>>, vector<16xi32>,
      %swap3A_110 = arith.constant 400 : index
      %swap3A_111 = tpu.vector_load %arg6[%swap3A_110] {strides = array<i32>} : memref<512xi32, #tpu.memory_space<vmem>>, vector<16xi32>,
      %swap3A_112 = vector.shape_cast %swap3A_111 : vector<16xi32> to vector<16xi32>
      %swap3A_113 = vector.shape_cast %add3A_6 : vector<16xi32> to vector<16xi32>
      tpu.vector_store %arg6[%swap3A_110], %swap3A_113 {strides = array<i32>} : memref<512xi32, #tpu.memory_space<vmem>>, vector<16xi32>,
      %swap3A_114 = arith.constant 416 : index
      %swap3A_115 = tpu.vector_load %arg6[%swap3A_114] {strides = array<i32>} : memref<512xi32, #tpu.memory_space<vmem>>, vector<16xi32>,
      %swap3A_116 = vector.shape_cast %swap3A_115 : vector<16xi32> to vector<16xi32>
      %swap3A_117 = vector.shape_cast %add3A_6 : vector<16xi32> to vector<16xi32>
      tpu.vector_store %arg6[%swap3A_114], %swap3A_117 {strides = array<i32>} : memref<512xi32, #tpu.memory_space<vmem>>, vector<16xi32>,
      %swap3A_118 = arith.constant 432 : index
      %swap3A_119 = tpu.vector_load %arg6[%swap3A_118] {strides = array<i32>} : memref<512xi32, #tpu.memory_space<vmem>>, vector<16xi32>,
      %swap3A_120 = vector.shape_cast %swap3A_119 : vector<16xi32> to vector<16xi32>
      %swap3A_121 = vector.shape_cast %add3A_6 : vector<16xi32> to vector<16xi32>
      tpu.vector_store %arg6[%swap3A_118], %swap3A_121 {strides = array<i32>} : memref<512xi32, #tpu.memory_space<vmem>>, vector<16xi32>,
      %swap3A_122 = arith.constant 448 : index
      %swap3A_123 = tpu.vector_load %arg6[%swap3A_122] {strides = array<i32>} : memref<512xi32, #tpu.memory_space<vmem>>, vector<16xi32>,
      %swap3A_124 = vector.shape_cast %swap3A_123 : vector<16xi32> to vector<16xi32>
      %swap3A_125 = vector.shape_cast %add3A_6 : vector<16xi32> to vector<16xi32>
      tpu.vector_store %arg6[%swap3A_122], %swap3A_125 {strides = array<i32>} : memref<512xi32, #tpu.memory_space<vmem>>, vector<16xi32>,
      %swap3A_126 = arith.constant 464 : index
      %swap3A_127 = tpu.vector_load %arg6[%swap3A_126] {strides = array<i32>} : memref<512xi32, #tpu.memory_space<vmem>>, vector<16xi32>,
      %swap3A_128 = vector.shape_cast %swap3A_127 : vector<16xi32> to vector<16xi32>
      %swap3A_129 = vector.shape_cast %add3A_6 : vector<16xi32> to vector<16xi32>
      tpu.vector_store %arg6[%swap3A_126], %swap3A_129 {strides = array<i32>} : memref<512xi32, #tpu.memory_space<vmem>>, vector<16xi32>,
      %swap3A_130 = arith.constant 480 : index
      %swap3A_131 = tpu.vector_load %arg6[%swap3A_130] {strides = array<i32>} : memref<512xi32, #tpu.memory_space<vmem>>, vector<16xi32>,
      %swap3A_132 = vector.shape_cast %swap3A_131 : vector<16xi32> to vector<16xi32>
      %swap3A_133 = vector.shape_cast %add3A_6 : vector<16xi32> to vector<16xi32>
      tpu.vector_store %arg6[%swap3A_130], %swap3A_133 {strides = array<i32>} : memref<512xi32, #tpu.memory_space<vmem>>, vector<16xi32>,
      %swap3A_134 = arith.constant 496 : index
      %swap3A_135 = tpu.vector_load %arg6[%swap3A_134] {strides = array<i32>} : memref<512xi32, #tpu.memory_space<vmem>>, vector<16xi32>,
      %swap3A_136 = vector.shape_cast %swap3A_135 : vector<16xi32> to vector<16xi32>
      %swap3A_137 = vector.shape_cast %add3A_6 : vector<16xi32> to vector<16xi32>
      tpu.vector_store %arg6[%swap3A_134], %swap3A_137 {strides = array<i32>} : memref<512xi32, #tpu.memory_space<vmem>>, vector<16xi32>,
      %dma_start3A = arith.constant 0 : i32
      %dma_start3A_138 = tpu.memref_slice %arg7[%dma_start3A] : memref<16xi32, #tpu.memory_space<vmem_shared>> -> memref<16xi32, #tpu.memory_space<vmem_shared>>
      tpu.enqueue_indirect_dma source(%arg6 : memref<512xi32, #tpu.memory_space<vmem>>) target(%dma_start3A_138 : memref<16xi32, #tpu.memory_space<vmem_shared>>) offsets(%arg5 : memref<512xi32, #tpu.memory_space<vmem>>) semaphore(%arg14 : memref<!tpu.dma_semaphore, #tpu.memory_space<semaphore_mem>>) {add = true}
      %dma_wait3A = arith.constant 0 : i32
      %dma_wait3A_139 = tpu.memref_slice %arg7[%dma_wait3A] : memref<16xi32, #tpu.memory_space<vmem_shared>> -> memref<16xi32, #tpu.memory_space<vmem_shared>>
      tpu.wait_indirect_dma semaphore(%arg14 : memref<!tpu.dma_semaphore, #tpu.memory_space<semaphore_mem>>) src(%arg6 : memref<512xi32, #tpu.memory_space<vmem>>) dst(%dma_wait3A_139 : memref<16xi32, #tpu.memory_space<vmem_shared>>)
      "tpu.region"() ({
        %run_scoped3A = tpu.sem_alloc : memref<!tpu.dma_semaphore, #tpu.memory_space<semaphore_mem>>
        tpu.enqueue_dma source(%arg7 : memref<16xi32, #tpu.memory_space<vmem_shared>>) target(%arg9 : memref<16xi32, #tpu.memory_space<vmem>>) target_semaphore(%run_scoped3A : memref<!tpu.dma_semaphore, #tpu.memory_space<semaphore_mem>>)
        tpu.wait_dma2 semaphore(%run_scoped3A : memref<!tpu.dma_semaphore, #tpu.memory_space<semaphore_mem>>) src(%arg7 : memref<16xi32, #tpu.memory_space<vmem_shared>>) dst(%arg9 : memref<16xi32, #tpu.memory_space<vmem>>)
        tpu.yield
      }) : () -> ()
      %add3A_140 = arith.constant 1 : i32
      %add3A_141 = vector.broadcast %add3A_140 : i32 to vector<16xi32>
      %add3A_142 = arith.addi %iota3A, %add3A_141 : vector<16xi32>
      %min3A = arith.constant 15 : i32
      %min3A_143 = vector.broadcast %min3A : i32 to vector<16xi32>
      %min3A_144 = arith.minsi %add3A_142, %min3A_143 : vector<16xi32>
      %dma_start3A_145 = arith.constant 0 : i32
      %dma_start3A_146 = tpu.memref_slice %arg8[%dma_start3A_145] : memref<16xi32, #tpu.memory_space<vmem_shared>> -> memref<16xi32, #tpu.memory_space<vmem_shared>>
      tpu.enqueue_indirect_dma source(%arg9 : memref<16xi32, #tpu.memory_space<vmem>>) target(%dma_start3A_146 : memref<16xi32, #tpu.memory_space<vmem_shared>>) offsets(%min3A_144 : vector<16xi32>) semaphore(%arg14 : memref<!tpu.dma_semaphore, #tpu.memory_space<semaphore_mem>>) {add = true}
      %add3A_147 = arith.constant 2 : i32
      %add3A_148 = vector.broadcast %add3A_147 : i32 to vector<16xi32>
      %add3A_149 = arith.addi %iota3A, %add3A_148 : vector<16xi32>
      %min3A_150 = arith.constant 15 : i32
      %min3A_151 = vector.broadcast %min3A_150 : i32 to vector<16xi32>
      %min3A_152 = arith.minsi %add3A_149, %min3A_151 : vector<16xi32>
      %dma_start3A_153 = arith.constant 0 : i32
      %dma_start3A_154 = tpu.memref_slice %arg8[%dma_start3A_153] : memref<16xi32, #tpu.memory_space<vmem_shared>> -> memref<16xi32, #tpu.memory_space<vmem_shared>>
      tpu.enqueue_indirect_dma source(%arg9 : memref<16xi32, #tpu.memory_space<vmem>>) target(%dma_start3A_154 : memref<16xi32, #tpu.memory_space<vmem_shared>>) offsets(%min3A_152 : vector<16xi32>) semaphore(%arg14 : memref<!tpu.dma_semaphore, #tpu.memory_space<semaphore_mem>>) {add = true}
      %add3A_155 = arith.constant 3 : i32
      %add3A_156 = vector.broadcast %add3A_155 : i32 to vector<16xi32>
      %add3A_157 = arith.addi %iota3A, %add3A_156 : vector<16xi32>
      %min3A_158 = arith.constant 15 : i32
      %min3A_159 = vector.broadcast %min3A_158 : i32 to vector<16xi32>
      %min3A_160 = arith.minsi %add3A_157, %min3A_159 : vector<16xi32>
      %dma_start3A_161 = arith.constant 0 : i32
      %dma_start3A_162 = tpu.memref_slice %arg8[%dma_start3A_161] : memref<16xi32, #tpu.memory_space<vmem_shared>> -> memref<16xi32, #tpu.memory_space<vmem_shared>>
      tpu.enqueue_indirect_dma source(%arg9 : memref<16xi32, #tpu.memory_space<vmem>>) target(%dma_start3A_162 : memref<16xi32, #tpu.memory_space<vmem_shared>>) offsets(%min3A_160 : vector<16xi32>) semaphore(%arg14 : memref<!tpu.dma_semaphore, #tpu.memory_space<semaphore_mem>>) {add = true}
      %add3A_163 = arith.constant 4 : i32
      %add3A_164 = vector.broadcast %add3A_163 : i32 to vector<16xi32>
      %add3A_165 = arith.addi %iota3A, %add3A_164 : vector<16xi32>
      %min3A_166 = arith.constant 15 : i32
      %min3A_167 = vector.broadcast %min3A_166 : i32 to vector<16xi32>
      %min3A_168 = arith.minsi %add3A_165, %min3A_167 : vector<16xi32>
      %dma_start3A_169 = arith.constant 0 : i32
      %dma_start3A_170 = tpu.memref_slice %arg8[%dma_start3A_169] : memref<16xi32, #tpu.memory_space<vmem_shared>> -> memref<16xi32, #tpu.memory_space<vmem_shared>>
      tpu.enqueue_indirect_dma source(%arg9 : memref<16xi32, #tpu.memory_space<vmem>>) target(%dma_start3A_170 : memref<16xi32, #tpu.memory_space<vmem_shared>>) offsets(%min3A_168 : vector<16xi32>) semaphore(%arg14 : memref<!tpu.dma_semaphore, #tpu.memory_space<semaphore_mem>>) {add = true}
      %add3A_171 = arith.constant 5 : i32
      %add3A_172 = vector.broadcast %add3A_171 : i32 to vector<16xi32>
      %add3A_173 = arith.addi %iota3A, %add3A_172 : vector<16xi32>
      %min3A_174 = arith.constant 15 : i32
      %min3A_175 = vector.broadcast %min3A_174 : i32 to vector<16xi32>
      %min3A_176 = arith.minsi %add3A_173, %min3A_175 : vector<16xi32>
      %dma_start3A_177 = arith.constant 0 : i32
      %dma_start3A_178 = tpu.memref_slice %arg8[%dma_start3A_177] : memref<16xi32, #tpu.memory_space<vmem_shared>> -> memref<16xi32, #tpu.memory_space<vmem_shared>>
      tpu.enqueue_indirect_dma source(%arg9 : memref<16xi32, #tpu.memory_space<vmem>>) target(%dma_start3A_178 : memref<16xi32, #tpu.memory_space<vmem_shared>>) offsets(%min3A_176 : vector<16xi32>) semaphore(%arg14 : memref<!tpu.dma_semaphore, #tpu.memory_space<semaphore_mem>>) {add = true}
      %add3A_179 = arith.constant 6 : i32
      %add3A_180 = vector.broadcast %add3A_179 : i32 to vector<16xi32>
      %add3A_181 = arith.addi %iota3A, %add3A_180 : vector<16xi32>
      %min3A_182 = arith.constant 15 : i32
      %min3A_183 = vector.broadcast %min3A_182 : i32 to vector<16xi32>
      %min3A_184 = arith.minsi %add3A_181, %min3A_183 : vector<16xi32>
      %dma_start3A_185 = arith.constant 0 : i32
      %dma_start3A_186 = tpu.memref_slice %arg8[%dma_start3A_185] : memref<16xi32, #tpu.memory_space<vmem_shared>> -> memref<16xi32, #tpu.memory_space<vmem_shared>>
      tpu.enqueue_indirect_dma source(%arg9 : memref<16xi32, #tpu.memory_space<vmem>>) target(%dma_start3A_186 : memref<16xi32, #tpu.memory_space<vmem_shared>>) offsets(%min3A_184 : vector<16xi32>) semaphore(%arg14 : memref<!tpu.dma_semaphore, #tpu.memory_space<semaphore_mem>>) {add = true}
      %add3A_187 = arith.constant 7 : i32
      %add3A_188 = vector.broadcast %add3A_187 : i32 to vector<16xi32>
      %add3A_189 = arith.addi %iota3A, %add3A_188 : vector<16xi32>
      %min3A_190 = arith.constant 15 : i32
      %min3A_191 = vector.broadcast %min3A_190 : i32 to vector<16xi32>
      %min3A_192 = arith.minsi %add3A_189, %min3A_191 : vector<16xi32>
      %dma_start3A_193 = arith.constant 0 : i32
      %dma_start3A_194 = tpu.memref_slice %arg8[%dma_start3A_193] : memref<16xi32, #tpu.memory_space<vmem_shared>> -> memref<16xi32, #tpu.memory_space<vmem_shared>>
      tpu.enqueue_indirect_dma source(%arg9 : memref<16xi32, #tpu.memory_space<vmem>>) target(%dma_start3A_194 : memref<16xi32, #tpu.memory_space<vmem_shared>>) offsets(%min3A_192 : vector<16xi32>) semaphore(%arg14 : memref<!tpu.dma_semaphore, #tpu.memory_space<semaphore_mem>>) {add = true}
      %dma_wait3A_195 = arith.constant 0 : i32
      %dma_wait3A_196 = tpu.memref_slice %arg8[%dma_wait3A_195] : memref<16xi32, #tpu.memory_space<vmem_shared>> -> memref<16xi32, #tpu.memory_space<vmem_shared>>
      tpu.wait_indirect_dma semaphore(%arg14 : memref<!tpu.dma_semaphore, #tpu.memory_space<semaphore_mem>>) src(%arg9 : memref<16xi32, #tpu.memory_space<vmem>>) dst(%dma_wait3A_196 : memref<16xi32, #tpu.memory_space<vmem_shared>>)
      %dma_wait3A_197 = arith.constant 0 : i32
      %dma_wait3A_198 = tpu.memref_slice %arg8[%dma_wait3A_197] : memref<16xi32, #tpu.memory_space<vmem_shared>> -> memref<16xi32, #tpu.memory_space<vmem_shared>>
      tpu.wait_indirect_dma semaphore(%arg14 : memref<!tpu.dma_semaphore, #tpu.memory_space<semaphore_mem>>) src(%arg9 : memref<16xi32, #tpu.memory_space<vmem>>) dst(%dma_wait3A_198 : memref<16xi32, #tpu.memory_space<vmem_shared>>)
      %dma_wait3A_199 = arith.constant 0 : i32
      %dma_wait3A_200 = tpu.memref_slice %arg8[%dma_wait3A_199] : memref<16xi32, #tpu.memory_space<vmem_shared>> -> memref<16xi32, #tpu.memory_space<vmem_shared>>
      tpu.wait_indirect_dma semaphore(%arg14 : memref<!tpu.dma_semaphore, #tpu.memory_space<semaphore_mem>>) src(%arg9 : memref<16xi32, #tpu.memory_space<vmem>>) dst(%dma_wait3A_200 : memref<16xi32, #tpu.memory_space<vmem_shared>>)
      %dma_wait3A_201 = arith.constant 0 : i32
      %dma_wait3A_202 = tpu.memref_slice %arg8[%dma_wait3A_201] : memref<16xi32, #tpu.memory_space<vmem_shared>> -> memref<16xi32, #tpu.memory_space<vmem_shared>>
      tpu.wait_indirect_dma semaphore(%arg14 : memref<!tpu.dma_semaphore, #tpu.memory_space<semaphore_mem>>) src(%arg9 : memref<16xi32, #tpu.memory_space<vmem>>) dst(%dma_wait3A_202 : memref<16xi32, #tpu.memory_space<vmem_shared>>)
      %dma_wait3A_203 = arith.constant 0 : i32
      %dma_wait3A_204 = tpu.memref_slice %arg8[%dma_wait3A_203] : memref<16xi32, #tpu.memory_space<vmem_shared>> -> memref<16xi32, #tpu.memory_space<vmem_shared>>
      tpu.wait_indirect_dma semaphore(%arg14 : memref<!tpu.dma_semaphore, #tpu.memory_space<semaphore_mem>>) src(%arg9 : memref<16xi32, #tpu.memory_space<vmem>>) dst(%dma_wait3A_204 : memref<16xi32, #tpu.memory_space<vmem_shared>>)
      %dma_wait3A_205 = arith.constant 0 : i32
      %dma_wait3A_206 = tpu.memref_slice %arg8[%dma_wait3A_205] : memref<16xi32, #tpu.memory_space<vmem_shared>> -> memref<16xi32, #tpu.memory_space<vmem_shared>>
      tpu.wait_indirect_dma semaphore(%arg14 : memref<!tpu.dma_semaphore, #tpu.memory_space<semaphore_mem>>) src(%arg9 : memref<16xi32, #tpu.memory_space<vmem>>) dst(%dma_wait3A_206 : memref<16xi32, #tpu.memory_space<vmem_shared>>)
      %dma_wait3A_207 = arith.constant 0 : i32
      %dma_wait3A_208 = tpu.memref_slice %arg8[%dma_wait3A_207] : memref<16xi32, #tpu.memory_space<vmem_shared>> -> memref<16xi32, #tpu.memory_space<vmem_shared>>
      tpu.wait_indirect_dma semaphore(%arg14 : memref<!tpu.dma_semaphore, #tpu.memory_space<semaphore_mem>>) src(%arg9 : memref<16xi32, #tpu.memory_space<vmem>>) dst(%dma_wait3A_208 : memref<16xi32, #tpu.memory_space<vmem_shared>>)
      "tpu.region"() ({
        %run_scoped3A = tpu.sem_alloc : memref<!tpu.dma_semaphore, #tpu.memory_space<semaphore_mem>>
        tpu.enqueue_dma source(%arg8 : memref<16xi32, #tpu.memory_space<vmem_shared>>) target(%arg10 : memref<16xi32, #tpu.memory_space<vmem>>) target_semaphore(%run_scoped3A : memref<!tpu.dma_semaphore, #tpu.memory_space<semaphore_mem>>)
        tpu.wait_dma2 semaphore(%run_scoped3A : memref<!tpu.dma_semaphore, #tpu.memory_space<semaphore_mem>>) src(%arg8 : memref<16xi32, #tpu.memory_space<vmem_shared>>) dst(%arg10 : memref<16xi32, #tpu.memory_space<vmem>>)
        tpu.yield
      }) : () -> ()
      %get3A = arith.constant 0 : index
      %get3A_209 = tpu.vector_load %arg10[%get3A] {strides = array<i32>} : memref<16xi32, #tpu.memory_space<vmem>>, vector<16xi32>,
      %get3A_210 = vector.shape_cast %get3A_209 : vector<16xi32> to vector<16xi32>
      %sub3A = arith.constant 8 : i32
      %sub3A_211 = vector.broadcast %sub3A : i32 to vector<16xi32>
      %sub3A_212 = arith.subi %sub3A_211, %iota3A : vector<16xi32>
      %jit3A = arith.constant 0 : i32
      %jit3A_213 = arith.constant 1 : i32
      %max3A = vector.broadcast %jit3A : i32 to vector<16xi32>
      %max3A_214 = arith.maxsi %max3A, %sub3A_212 : vector<16xi32>
      %min3A_215 = vector.broadcast %jit3A_213 : i32 to vector<16xi32>
      %min3A_216 = arith.minsi %min3A_215, %max3A_214 : vector<16xi32>
      %mul3A_217 = arith.muli %get3A_210, %min3A_216 : vector<16xi32>
      %swap3A_218 = arith.constant 0 : index
      %swap3A_219 = tpu.vector_load %arg11[%swap3A_218] {strides = array<i32>} : memref<24xi32, #tpu.memory_space<vmem>>, vector<16xi32>,
      %swap3A_220 = vector.shape_cast %swap3A_219 : vector<16xi32> to vector<16xi32>
      %swap3A_221 = vector.shape_cast %broadcast_in_dim3A_3 : vector<16xi32> to vector<16xi32>
      tpu.vector_store %arg11[%swap3A_218], %swap3A_221 {strides = array<i32>} : memref<24xi32, #tpu.memory_space<vmem>>, vector<16xi32>,
      %swap3A_222 = arith.constant 8 : index
      %swap3A_223 = tpu.vector_load %arg11[%swap3A_222] {strides = array<i32>} : memref<24xi32, #tpu.memory_space<vmem>>, vector<16xi32>,
      %swap3A_224 = vector.shape_cast %swap3A_223 : vector<16xi32> to vector<16xi32>
      %swap3A_225 = vector.shape_cast %mul3A_217 : vector<16xi32> to vector<16xi32>
      tpu.vector_store %arg11[%swap3A_222], %swap3A_225 {strides = array<i32>} : memref<24xi32, #tpu.memory_space<vmem>>, vector<16xi32>,
      %get3A_226 = arith.constant 0 : index
      %get3A_227 = tpu.vector_load %arg11[%get3A_226] {strides = array<i32>} : memref<24xi32, #tpu.memory_space<vmem>>, vector<16xi32>,
      %get3A_228 = vector.shape_cast %get3A_227 : vector<16xi32> to vector<16xi32>
      %add3A_229 = arith.addi %mul3A_217, %get3A_228 : vector<16xi32>
      %shift_right_logical3A = arith.constant 3 : i32
      %shift_right_logical3A_230 = vector.broadcast %shift_right_logical3A : i32 to vector<16xi32>
      %shift_right_logical3A_231 = arith.shrui %iota3A, %shift_right_logical3A_230 : vector<16xi32>
      %add3A_232 = arith.constant 0 : i32
      %add3A_233 = vector.broadcast %add3A_232 : i32 to vector<16xi32>
      %add3A_234 = arith.addi %add3A_233, %shift_right_logical3A_231 : vector<16xi32>
      %add3A_235 = arith.addi %add3A_229, %add3A_234 : vector<16xi32>
      %min3A_236 = arith.constant 511 : i32
      %min3A_237 = vector.broadcast %min3A_236 : i32 to vector<16xi32>
      %min3A_238 = arith.minsi %add3A_235, %min3A_237 : vector<16xi32>
      %swap3A_239 = arith.constant 0 : index
      %swap3A_240 = tpu.vector_load %arg12[%swap3A_239] {strides = array<i32>} : memref<64xi32, #tpu.memory_space<vmem>>, vector<16xi32>,
      %swap3A_241 = vector.shape_cast %swap3A_240 : vector<16xi32> to vector<16xi32>
      %swap3A_242 = vector.shape_cast %min3A_238 : vector<16xi32> to vector<16xi32>
      tpu.vector_store %arg12[%swap3A_239], %swap3A_242 {strides = array<i32>} : memref<64xi32, #tpu.memory_space<vmem>>, vector<16xi32>,
      %shift_right_logical3A_243 = arith.constant 3 : i32
      %shift_right_logical3A_244 = vector.broadcast %shift_right_logical3A_243 : i32 to vector<16xi32>
      %shift_right_logical3A_245 = arith.shrui %iota3A, %shift_right_logical3A_244 : vector<16xi32>
      %add3A_246 = arith.constant 2 : i32
      %add3A_247 = vector.broadcast %add3A_246 : i32 to vector<16xi32>
      %add3A_248 = arith.addi %add3A_247, %shift_right_logical3A_245 : vector<16xi32>
      %add3A_249 = arith.addi %add3A_229, %add3A_248 : vector<16xi32>
      %min3A_250 = arith.constant 511 : i32
      %min3A_251 = vector.broadcast %min3A_250 : i32 to vector<16xi32>
      %min3A_252 = arith.minsi %add3A_249, %min3A_251 : vector<16xi32>
      %swap3A_253 = arith.constant 16 : index
      %swap3A_254 = tpu.vector_load %arg12[%swap3A_253] {strides = array<i32>} : memref<64xi32, #tpu.memory_space<vmem>>, vector<16xi32>,
      %swap3A_255 = vector.shape_cast %swap3A_254 : vector<16xi32> to vector<16xi32>
      %swap3A_256 = vector.shape_cast %min3A_252 : vector<16xi32> to vector<16xi32>
      tpu.vector_store %arg12[%swap3A_253], %swap3A_256 {strides = array<i32>} : memref<64xi32, #tpu.memory_space<vmem>>, vector<16xi32>,
      %shift_right_logical3A_257 = arith.constant 3 : i32
      %shift_right_logical3A_258 = vector.broadcast %shift_right_logical3A_257 : i32 to vector<16xi32>
      %shift_right_logical3A_259 = arith.shrui %iota3A, %shift_right_logical3A_258 : vector<16xi32>
      %add3A_260 = arith.constant 4 : i32
      %add3A_261 = vector.broadcast %add3A_260 : i32 to vector<16xi32>
      %add3A_262 = arith.addi %add3A_261, %shift_right_logical3A_259 : vector<16xi32>
      %add3A_263 = arith.addi %add3A_229, %add3A_262 : vector<16xi32>
      %min3A_264 = arith.constant 511 : i32
      %min3A_265 = vector.broadcast %min3A_264 : i32 to vector<16xi32>
      %min3A_266 = arith.minsi %add3A_263, %min3A_265 : vector<16xi32>
      %swap3A_267 = arith.constant 32 : index
      %swap3A_268 = tpu.vector_load %arg12[%swap3A_267] {strides = array<i32>} : memref<64xi32, #tpu.memory_space<vmem>>, vector<16xi32>,
      %swap3A_269 = vector.shape_cast %swap3A_268 : vector<16xi32> to vector<16xi32>
      %swap3A_270 = vector.shape_cast %min3A_266 : vector<16xi32> to vector<16xi32>
      tpu.vector_store %arg12[%swap3A_267], %swap3A_270 {strides = array<i32>} : memref<64xi32, #tpu.memory_space<vmem>>, vector<16xi32>,
      %shift_right_logical3A_271 = arith.constant 3 : i32
      %shift_right_logical3A_272 = vector.broadcast %shift_right_logical3A_271 : i32 to vector<16xi32>
      %shift_right_logical3A_273 = arith.shrui %iota3A, %shift_right_logical3A_272 : vector<16xi32>
      %add3A_274 = arith.constant 6 : i32
      %add3A_275 = vector.broadcast %add3A_274 : i32 to vector<16xi32>
      %add3A_276 = arith.addi %add3A_275, %shift_right_logical3A_273 : vector<16xi32>
      %add3A_277 = arith.addi %add3A_229, %add3A_276 : vector<16xi32>
      %min3A_278 = arith.constant 511 : i32
      %min3A_279 = vector.broadcast %min3A_278 : i32 to vector<16xi32>
      %min3A_280 = arith.minsi %add3A_277, %min3A_279 : vector<16xi32>
      %swap3A_281 = arith.constant 48 : index
      %swap3A_282 = tpu.vector_load %arg12[%swap3A_281] {strides = array<i32>} : memref<64xi32, #tpu.memory_space<vmem>>, vector<16xi32>,
      %swap3A_283 = vector.shape_cast %swap3A_282 : vector<16xi32> to vector<16xi32>
      %swap3A_284 = vector.shape_cast %min3A_280 : vector<16xi32> to vector<16xi32>
      tpu.vector_store %arg12[%swap3A_281], %swap3A_284 {strides = array<i32>} : memref<64xi32, #tpu.memory_space<vmem>>, vector<16xi32>,
      %dma_start3A_285 = arith.constant 0 : i32
      %dma_start3A_286 = arith.constant 0 : i32
      %dma_start3A_287 = tpu.memref_slice %arg3[%dma_start3A_285, %dma_start3A_286] : memref<512x256xf32, #tpu.memory_space<hbm>> -> memref<512x256xf32, #tpu.memory_space<hbm>>
      tpu.enqueue_indirect_dma source(%dma_start3A_287 : memref<512x256xf32, #tpu.memory_space<hbm>>) target(%arg13 : memref<64x256xf32, #tpu.memory_space<vmem>>) offsets(%arg12 : memref<64xi32, #tpu.memory_space<vmem>>) semaphore(%arg14 : memref<!tpu.dma_semaphore, #tpu.memory_space<semaphore_mem>>)
      %dma_wait3A_288 = arith.constant 0 : i32
      %dma_wait3A_289 = arith.constant 0 : i32
      %dma_wait3A_290 = tpu.memref_slice %arg3[%dma_wait3A_288, %dma_wait3A_289] : memref<512x256xf32, #tpu.memory_space<hbm>> -> memref<512x256xf32, #tpu.memory_space<hbm>>
      tpu.wait_indirect_dma semaphore(%arg14 : memref<!tpu.dma_semaphore, #tpu.memory_space<semaphore_mem>>) src(%dma_wait3A_290 : memref<512x256xf32, #tpu.memory_space<hbm>>) dst(%arg13 : memref<64x256xf32, #tpu.memory_space<vmem>>)
      "tpu.region"() ({
        %run_scoped3A = tpu.sem_alloc : memref<!tpu.dma_semaphore, #tpu.memory_space<semaphore_mem>>
        tpu.enqueue_dma source(%arg13 : memref<64x256xf32, #tpu.memory_space<vmem>>) target(%arg4 : memref<64x256xf32, #tpu.memory_space<hbm>>) target_semaphore(%run_scoped3A : memref<!tpu.dma_semaphore, #tpu.memory_space<semaphore_mem>>)
        tpu.wait_dma2 semaphore(%run_scoped3A : memref<!tpu.dma_semaphore, #tpu.memory_space<semaphore_mem>>) src(%arg13 : memref<64x256xf32, #tpu.memory_space<vmem>>) dst(%arg4 : memref<64x256xf32, #tpu.memory_space<hbm>>)
        tpu.yield
      }) : () -> ()
    } else {
    }
    return
  }
}

module attributes {stable_mosaic.version = 14 : i64} {
  func.func @_tc_body(%arg0: i32, %arg1: memref<8192x256xf32, #tpu.memory_space<vmem>>, %arg2: memref<8192x1xi32, #tpu.memory_space<vmem>>, %arg3: memref<64x256xf32, #tpu.memory_space<vmem>>, %arg4: memref<256x4xf32, #tpu.memory_space<vmem>>, %arg5: memref<256x32xf32, #tpu.memory_space<vmem>>, %arg6: memref<1x4xf32, #tpu.memory_space<vmem>>, %arg7: memref<8x8xf32, #tpu.memory_space<vmem>>, %arg8: memref<8192x32xf32, #tpu.memory_space<vmem>>, %arg9: memref<8x32xf32, #tpu.memory_space<vmem>>, %arg10: memref<8x32xf32, #tpu.memory_space<vmem>>) attributes {dimension_semantics = [#tpu.dimension_semantics<arbitrary>], iteration_bounds = array<i64: 2>, scalar_prefetch = 0 : i64, scratch_operands = 2 : i64, tpu.core_type = #tpu.core_type<tc>, window_params = [{transform_indices = @transform_0, window_bounds = array<i64: 8192, 256>}, {transform_indices = @transform_1, window_bounds = array<i64: 8192, 1>}, {pipeline_mode = #tpu.pipeline_mode<synchronous>, transform_indices = @transform_2, window_bounds = array<i64: 64, 256>}, {pipeline_mode = #tpu.pipeline_mode<synchronous>, transform_indices = @transform_3, window_bounds = array<i64: 256, 4>}, {pipeline_mode = #tpu.pipeline_mode<synchronous>, transform_indices = @transform_4, window_bounds = array<i64: 256, 32>}, {pipeline_mode = #tpu.pipeline_mode<synchronous>, transform_indices = @transform_5, window_bounds = array<i64: 1, 4>}, {pipeline_mode = #tpu.pipeline_mode<synchronous>, transform_indices = @transform_6, window_bounds = array<i64: 8, 8>}, {transform_indices = @transform_7, window_bounds = array<i64: 8192, 32>}]} {
    %eq3A = arith.constant 0 : i32
    %eq3A_0 = arith.cmpi eq, %arg0, %eq3A : i32
    %convert_element_type3A = arith.extui %eq3A_0 : i1 to i32
    %cond3A = arith.constant 0 : i32
    %cond3A_1 = arith.cmpi ne, %convert_element_type3A, %cond3A : i32
    scf.if %cond3A_1 {
      %get3A_29 = arith.constant 0 : index
      %get3A_30 = arith.constant 0 : index
      %get3A_31 = vector.load %arg3[%get3A_29, %get3A_30] : memref<64x256xf32, #tpu.memory_space<vmem>>, vector<8x256xf32>
      %get3A_32 = arith.constant 0 : index
      %get3A_33 = arith.constant 0 : index
      %get3A_34 = vector.load %arg4[%get3A_32, %get3A_33] : memref<256x4xf32, #tpu.memory_space<vmem>>, vector<256x4xf32>
      %dot_general3A_35 = arith.constant dense<0.000000e+00> : vector<8x4xf32>
      %dot_general3A_36 = tpu.matmul %get3A_31, %get3A_34, %dot_general3A_35 {dimension_numbers = #tpu.dot_dimension_numbers<[1], [0], [0], [1], [0, 0, 1, 1], [], []>, transpose_lhs_hint = false} : vector<8x256xf32>, vector<256x4xf32>, vector<8x4xf32> -> vector<8x4xf32>
      %get3A_37 = arith.constant 8 : index
      %get3A_38 = arith.constant 0 : index
      %get3A_39 = vector.load %arg3[%get3A_37, %get3A_38] : memref<64x256xf32, #tpu.memory_space<vmem>>, vector<8x256xf32>
      %get3A_40 = arith.constant 0 : index
      %get3A_41 = arith.constant 0 : index
      %get3A_42 = vector.load %arg4[%get3A_40, %get3A_41] : memref<256x4xf32, #tpu.memory_space<vmem>>, vector<256x4xf32>
      %dot_general3A_43 = arith.constant dense<0.000000e+00> : vector<8x4xf32>
      %dot_general3A_44 = tpu.matmul %get3A_39, %get3A_42, %dot_general3A_43 {dimension_numbers = #tpu.dot_dimension_numbers<[1], [0], [0], [1], [0, 0, 1, 1], [], []>, transpose_lhs_hint = false} : vector<8x256xf32>, vector<256x4xf32>, vector<8x4xf32> -> vector<8x4xf32>
      %get3A_45 = arith.constant 16 : index
      %get3A_46 = arith.constant 0 : index
      %get3A_47 = vector.load %arg3[%get3A_45, %get3A_46] : memref<64x256xf32, #tpu.memory_space<vmem>>, vector<8x256xf32>
      %get3A_48 = arith.constant 0 : index
      %get3A_49 = arith.constant 0 : index
      %get3A_50 = vector.load %arg4[%get3A_48, %get3A_49] : memref<256x4xf32, #tpu.memory_space<vmem>>, vector<256x4xf32>
      %dot_general3A_51 = arith.constant dense<0.000000e+00> : vector<8x4xf32>
      %dot_general3A_52 = tpu.matmul %get3A_47, %get3A_50, %dot_general3A_51 {dimension_numbers = #tpu.dot_dimension_numbers<[1], [0], [0], [1], [0, 0, 1, 1], [], []>, transpose_lhs_hint = false} : vector<8x256xf32>, vector<256x4xf32>, vector<8x4xf32> -> vector<8x4xf32>
      %get3A_53 = arith.constant 24 : index
      %get3A_54 = arith.constant 0 : index
      %get3A_55 = vector.load %arg3[%get3A_53, %get3A_54] : memref<64x256xf32, #tpu.memory_space<vmem>>, vector<8x256xf32>
      %get3A_56 = arith.constant 0 : index
      %get3A_57 = arith.constant 0 : index
      %get3A_58 = vector.load %arg4[%get3A_56, %get3A_57] : memref<256x4xf32, #tpu.memory_space<vmem>>, vector<256x4xf32>
      %dot_general3A_59 = arith.constant dense<0.000000e+00> : vector<8x4xf32>
      %dot_general3A_60 = tpu.matmul %get3A_55, %get3A_58, %dot_general3A_59 {dimension_numbers = #tpu.dot_dimension_numbers<[1], [0], [0], [1], [0, 0, 1, 1], [], []>, transpose_lhs_hint = false} : vector<8x256xf32>, vector<256x4xf32>, vector<8x4xf32> -> vector<8x4xf32>
      %get3A_61 = arith.constant 32 : index
      %get3A_62 = arith.constant 0 : index
      %get3A_63 = vector.load %arg3[%get3A_61, %get3A_62] : memref<64x256xf32, #tpu.memory_space<vmem>>, vector<8x256xf32>
      %get3A_64 = arith.constant 0 : index
      %get3A_65 = arith.constant 0 : index
      %get3A_66 = vector.load %arg4[%get3A_64, %get3A_65] : memref<256x4xf32, #tpu.memory_space<vmem>>, vector<256x4xf32>
      %dot_general3A_67 = arith.constant dense<0.000000e+00> : vector<8x4xf32>
      %dot_general3A_68 = tpu.matmul %get3A_63, %get3A_66, %dot_general3A_67 {dimension_numbers = #tpu.dot_dimension_numbers<[1], [0], [0], [1], [0, 0, 1, 1], [], []>, transpose_lhs_hint = false} : vector<8x256xf32>, vector<256x4xf32>, vector<8x4xf32> -> vector<8x4xf32>
      %get3A_69 = arith.constant 40 : index
      %get3A_70 = arith.constant 0 : index
      %get3A_71 = vector.load %arg3[%get3A_69, %get3A_70] : memref<64x256xf32, #tpu.memory_space<vmem>>, vector<8x256xf32>
      %get3A_72 = arith.constant 0 : index
      %get3A_73 = arith.constant 0 : index
      %get3A_74 = vector.load %arg4[%get3A_72, %get3A_73] : memref<256x4xf32, #tpu.memory_space<vmem>>, vector<256x4xf32>
      %dot_general3A_75 = arith.constant dense<0.000000e+00> : vector<8x4xf32>
      %dot_general3A_76 = tpu.matmul %get3A_71, %get3A_74, %dot_general3A_75 {dimension_numbers = #tpu.dot_dimension_numbers<[1], [0], [0], [1], [0, 0, 1, 1], [], []>, transpose_lhs_hint = false} : vector<8x256xf32>, vector<256x4xf32>, vector<8x4xf32> -> vector<8x4xf32>
      %get3A_77 = arith.constant 48 : index
      %get3A_78 = arith.constant 0 : index
      %get3A_79 = vector.load %arg3[%get3A_77, %get3A_78] : memref<64x256xf32, #tpu.memory_space<vmem>>, vector<8x256xf32>
      %get3A_80 = arith.constant 0 : index
      %get3A_81 = arith.constant 0 : index
      %get3A_82 = vector.load %arg4[%get3A_80, %get3A_81] : memref<256x4xf32, #tpu.memory_space<vmem>>, vector<256x4xf32>
      %dot_general3A_83 = arith.constant dense<0.000000e+00> : vector<8x4xf32>
      %dot_general3A_84 = tpu.matmul %get3A_79, %get3A_82, %dot_general3A_83 {dimension_numbers = #tpu.dot_dimension_numbers<[1], [0], [0], [1], [0, 0, 1, 1], [], []>, transpose_lhs_hint = false} : vector<8x256xf32>, vector<256x4xf32>, vector<8x4xf32> -> vector<8x4xf32>
      %get3A_85 = arith.constant 56 : index
      %get3A_86 = arith.constant 0 : index
      %get3A_87 = vector.load %arg3[%get3A_85, %get3A_86] : memref<64x256xf32, #tpu.memory_space<vmem>>, vector<8x256xf32>
      %get3A_88 = arith.constant 0 : index
      %get3A_89 = arith.constant 0 : index
      %get3A_90 = vector.load %arg4[%get3A_88, %get3A_89] : memref<256x4xf32, #tpu.memory_space<vmem>>, vector<256x4xf32>
      %dot_general3A_91 = arith.constant dense<0.000000e+00> : vector<8x4xf32>
      %dot_general3A_92 = tpu.matmul %get3A_87, %get3A_90, %dot_general3A_91 {dimension_numbers = #tpu.dot_dimension_numbers<[1], [0], [0], [1], [0, 0, 1, 1], [], []>, transpose_lhs_hint = false} : vector<8x256xf32>, vector<256x4xf32>, vector<8x4xf32> -> vector<8x4xf32>
      %concatenate3A = tpu.concatenate %dot_general3A_36, %dot_general3A_44, %dot_general3A_52, %dot_general3A_60, %dot_general3A_68, %dot_general3A_76, %dot_general3A_84, %dot_general3A_92 in 1 : vector<8x4xf32>, vector<8x4xf32>, vector<8x4xf32>, vector<8x4xf32>, vector<8x4xf32>, vector<8x4xf32>, vector<8x4xf32>, vector<8x4xf32> -> vector<8x32xf32>
      %get3A_93 = arith.constant 0 : index
      %get3A_94 = arith.constant 0 : index
      %get3A_95 = vector.load %arg6[%get3A_93, %get3A_94] : memref<1x4xf32, #tpu.memory_space<vmem>>, vector<1x4xf32>
      %concatenate3A_96 = tpu.concatenate %get3A_95, %get3A_95, %get3A_95, %get3A_95, %get3A_95, %get3A_95, %get3A_95, %get3A_95 in 1 : vector<1x4xf32>, vector<1x4xf32>, vector<1x4xf32>, vector<1x4xf32>, vector<1x4xf32>, vector<1x4xf32>, vector<1x4xf32>, vector<1x4xf32> -> vector<1x32xf32>
      %add3A_97 = vector.broadcast %concatenate3A_96 : vector<1x32xf32> to vector<8x32xf32>
      %add3A_98 = arith.addf %concatenate3A, %add3A_97 : vector<8x32xf32>
      %swap3A_99 = arith.constant 0 : index
      %swap3A_100 = arith.constant 0 : index
      %swap3A_101 = vector.load %arg9[%swap3A_99, %swap3A_100] : memref<8x32xf32, #tpu.memory_space<vmem>>, vector<8x32xf32>
      tpu.vector_store %arg9[%swap3A_99, %swap3A_100], %add3A_98 {strides = array<i32>} : memref<8x32xf32, #tpu.memory_space<vmem>>, vector<8x32xf32>,
      %iota3A_102 = tpu.iota {dimensions = array<i32: 0>} : vector<8x32xi32>
      %iota3A_103 = tpu.iota {dimensions = array<i32: 1>} : vector<8x32xi32>
      %jit3A = arith.constant 4 : i32
      %div3A = vector.broadcast %jit3A : i32 to vector<8x32xi32>
      %div3A_104 = arith.divsi %iota3A_103, %div3A : vector<8x32xi32>
      %sign3A = arith.constant 0 : i32
      %sign3A_105 = vector.broadcast %sign3A : i32 to vector<8x32xi32>
      %sign3A_106 = arith.cmpi sgt, %iota3A_103, %sign3A_105 : vector<8x32xi32>
      %sign3A_107 = arith.extui %sign3A_106 : vector<8x32xi1> to vector<8x32xi32>
      %sign3A_108 = arith.constant 0 : i32
      %sign3A_109 = vector.broadcast %sign3A_108 : i32 to vector<8x32xi32>
      %sign3A_110 = arith.cmpi slt, %iota3A_103, %sign3A_109 : vector<8x32xi32>
      %sign3A_111 = arith.extui %sign3A_110 : vector<8x32xi1> to vector<8x32xi32>
      %sign3A_112 = arith.subi %sign3A_107, %sign3A_111 : vector<8x32xi32>
      %sign3A_113 = arith.constant 0 : i32
      %sign3A_114 = arith.cmpi sgt, %jit3A, %sign3A_113 : i32
      %sign3A_115 = arith.extui %sign3A_114 : i1 to i32
      %sign3A_116 = arith.constant 0 : i32
      %sign3A_117 = arith.cmpi slt, %jit3A, %sign3A_116 : i32
      %sign3A_118 = arith.extui %sign3A_117 : i1 to i32
      %sign3A_119 = arith.subi %sign3A_115, %sign3A_118 : i32
      %ne3A = vector.broadcast %sign3A_119 : i32 to vector<8x32xi32>
      %ne3A_120 = arith.cmpi ne, %sign3A_112, %ne3A : vector<8x32xi32>
      %rem3A = vector.broadcast %jit3A : i32 to vector<8x32xi32>
      %rem3A_121 = arith.remsi %iota3A_103, %rem3A : vector<8x32xi32>
      %ne3A_122 = arith.constant 0 : i32
      %ne3A_123 = vector.broadcast %ne3A_122 : i32 to vector<8x32xi32>
      %ne3A_124 = arith.cmpi ne, %rem3A_121, %ne3A_123 : vector<8x32xi32>
      %and3A = arith.andi %ne3A_120, %ne3A_124 : vector<8x32xi1>
      %sub3A = arith.constant 1 : i32
      %sub3A_125 = vector.broadcast %sub3A : i32 to vector<8x32xi32>
      %sub3A_126 = arith.subi %div3A_104, %sub3A_125 : vector<8x32xi32>
      %select_n3A = arith.select %and3A, %sub3A_126, %div3A_104 : vector<8x32xi1>, vector<8x32xi32>
      %eq3A_127 = arith.cmpi eq, %iota3A_102, %select_n3A : vector<8x32xi32>
      %convert_element_type3A_128 = arith.extui %eq3A_127 : vector<8x32xi1> to vector<8x32xi32>
      %convert_element_type3A_129 = arith.sitofp %convert_element_type3A_128 : vector<8x32xi32> to vector<8x32xf32>
      %get3A_130 = arith.constant 0 : index
      %get3A_131 = arith.constant 0 : index
      %get3A_132 = vector.load %arg7[%get3A_130, %get3A_131] : memref<8x8xf32, #tpu.memory_space<vmem>>, vector<8x8xf32>
      %dot_general3A_133 = arith.constant dense<0.000000e+00> : vector<8x32xf32>
      %dot_general3A_134 = tpu.matmul %get3A_132, %convert_element_type3A_129, %dot_general3A_133 {dimension_numbers = #tpu.dot_dimension_numbers<[1], [0], [0], [1], [0, 0, 1, 1], [], []>, transpose_lhs_hint = false} : vector<8x8xf32>, vector<8x32xf32>, vector<8x32xf32> -> vector<8x32xf32>
      %swap3A_135 = arith.constant 0 : index
      %swap3A_136 = arith.constant 0 : index
      %swap3A_137 = vector.load %arg10[%swap3A_135, %swap3A_136] : memref<8x32xf32, #tpu.memory_space<vmem>>, vector<8x32xf32>
      tpu.vector_store %arg10[%swap3A_135, %swap3A_136], %dot_general3A_134 {strides = array<i32>} : memref<8x32xf32, #tpu.memory_space<vmem>>, vector<8x32xf32>,
    } else {
    }
    %get3A = arith.constant 0 : index
    %get3A_2 = arith.constant 0 : index
    %get3A_3 = vector.load %arg2[%get3A, %get3A_2] : memref<8192x1xi32, #tpu.memory_space<vmem>>, vector<8192x1xi32>
    %iota3A = tpu.iota {dimensions = array<i32: 1>} : vector<8192x8xi32>
    %eq3A_4 = vector.broadcast %get3A_3 : vector<8192x1xi32> to vector<8192x8xi32>
    %eq3A_5 = arith.cmpi eq, %eq3A_4, %iota3A : vector<8192x8xi32>
    %convert_element_type3A_6 = arith.extui %eq3A_5 : vector<8192x8xi1> to vector<8192x8xi32>
    %convert_element_type3A_7 = arith.sitofp %convert_element_type3A_6 : vector<8192x8xi32> to vector<8192x8xf32>
    %get3A_8 = arith.constant 0 : index
    %get3A_9 = arith.constant 0 : index
    %get3A_10 = vector.load %arg9[%get3A_8, %get3A_9] : memref<8x32xf32, #tpu.memory_space<vmem>>, vector<8x32xf32>
    %dot_general3A = arith.constant dense<0.000000e+00> : vector<8192x32xf32>
    %dot_general3A_11 = tpu.matmul %convert_element_type3A_7, %get3A_10, %dot_general3A {dimension_numbers = #tpu.dot_dimension_numbers<[1], [0], [0], [1], [0, 0, 1, 1], [], []>, transpose_lhs_hint = false} : vector<8192x8xf32>, vector<8x32xf32>, vector<8192x32xf32> -> vector<8192x32xf32>
    %get3A_12 = arith.constant 0 : index
    %get3A_13 = arith.constant 0 : index
    %get3A_14 = vector.load %arg10[%get3A_12, %get3A_13] : memref<8x32xf32, #tpu.memory_space<vmem>>, vector<8x32xf32>
    %dot_general3A_15 = arith.constant dense<0.000000e+00> : vector<8192x32xf32>
    %dot_general3A_16 = tpu.matmul %convert_element_type3A_7, %get3A_14, %dot_general3A_15 {dimension_numbers = #tpu.dot_dimension_numbers<[1], [0], [0], [1], [0, 0, 1, 1], [], []>, transpose_lhs_hint = false} : vector<8192x8xf32>, vector<8x32xf32>, vector<8192x32xf32> -> vector<8192x32xf32>
    %get3A_17 = arith.constant 0 : index
    %get3A_18 = arith.constant 0 : index
    %get3A_19 = vector.load %arg1[%get3A_17, %get3A_18] : memref<8192x256xf32, #tpu.memory_space<vmem>>, vector<8192x256xf32>
    %get3A_20 = arith.constant 0 : index
    %get3A_21 = arith.constant 0 : index
    %get3A_22 = vector.load %arg5[%get3A_20, %get3A_21] : memref<256x32xf32, #tpu.memory_space<vmem>>, vector<256x32xf32>
    %dot_general3A_23 = arith.constant dense<0.000000e+00> : vector<8192x32xf32>
    %dot_general3A_24 = tpu.matmul %get3A_19, %get3A_22, %dot_general3A_23 {dimension_numbers = #tpu.dot_dimension_numbers<[1], [0], [0], [1], [0, 0, 1, 1], [], []>, transpose_lhs_hint = false} : vector<8192x256xf32>, vector<256x32xf32>, vector<8192x32xf32> -> vector<8192x32xf32>
    %add3A = arith.addf %dot_general3A_24, %dot_general3A_11 : vector<8192x32xf32>
    %max3A = arith.constant 0.000000e+00 : f32
    %max3A_25 = vector.broadcast %max3A : f32 to vector<8192x32xf32>
    %max3A_26 = arith.maximumf %add3A, %max3A_25 : vector<8192x32xf32>
    %mul3A = arith.mulf %max3A_26, %dot_general3A_16 : vector<8192x32xf32>
    %swap3A = arith.constant 0 : index
    %swap3A_27 = arith.constant 0 : index
    %swap3A_28 = vector.load %arg8[%swap3A, %swap3A_27] : memref<8192x32xf32, #tpu.memory_space<vmem>>, vector<8192x32xf32>
    tpu.vector_store %arg8[%swap3A, %swap3A_27], %mul3A {strides = array<i32>} : memref<8192x32xf32, #tpu.memory_space<vmem>>, vector<8192x32xf32>,
    return
  }
  func.func @transform_0(%arg0: i32) -> (i32, i32) {
    %c0_i32 = arith.constant 0 : i32
    %c0_i32_0 = arith.constant 0 : i32
    return %arg0, %c0_i32 : i32, i32
  }
  func.func @transform_1(%arg0: i32) -> (i32, i32) {
    %c0_i32 = arith.constant 0 : i32
    %c0_i32_0 = arith.constant 0 : i32
    return %arg0, %c0_i32 : i32, i32
  }
  func.func @transform_2(%arg0: i32) -> (i32, i32) {
    %c0_i32 = arith.constant 0 : i32
    %c0_i32_0 = arith.constant 0 : i32
    %c0_i32_1 = arith.constant 0 : i32
    return %c0_i32, %c0_i32_0 : i32, i32
  }
  func.func @transform_3(%arg0: i32) -> (i32, i32) {
    %c0_i32 = arith.constant 0 : i32
    %c0_i32_0 = arith.constant 0 : i32
    %c0_i32_1 = arith.constant 0 : i32
    return %c0_i32, %c0_i32_0 : i32, i32
  }
  func.func @transform_4(%arg0: i32) -> (i32, i32) {
    %c0_i32 = arith.constant 0 : i32
    %c0_i32_0 = arith.constant 0 : i32
    %c0_i32_1 = arith.constant 0 : i32
    return %c0_i32, %c0_i32_0 : i32, i32
  }
  func.func @transform_5(%arg0: i32) -> (i32, i32) {
    %c0_i32 = arith.constant 0 : i32
    %c0_i32_0 = arith.constant 0 : i32
    %c0_i32_1 = arith.constant 0 : i32
    return %c0_i32, %c0_i32_0 : i32, i32
  }
  func.func @transform_6(%arg0: i32) -> (i32, i32) {
    %c0_i32 = arith.constant 0 : i32
    %c0_i32_0 = arith.constant 0 : i32
    %c0_i32_1 = arith.constant 0 : i32
    return %c0_i32, %c0_i32_0 : i32, i32
  }
  func.func @transform_7(%arg0: i32) -> (i32, i32) {
    %c0_i32 = arith.constant 0 : i32
    %c0_i32_0 = arith.constant 0 : i32
    return %arg0, %c0_i32 : i32, i32
  }
}

</mosaic_0001>

<sc_bundles>
// kernel: kernel.4.cloned.1.call-start
scs
__scs_entry_jumppad:
0x0: {  	(pc) =	sbr.rel $0x88, $3  }
0x1: {  	(tag) =	ssettag $0x0;
	lr =	simm.s32 $0x1  }
0x2: {  	[smem:$0x3F9A] =	sst lr;
	_ =	strace $0xD0000000  }
0x3: {  	_ = 	snop  }
0x4: {  	_ = 	snop  }
0x5: {  	_ = 	snop  }
0x6: {  	_ = 	snop  }
0x7: {  	_ = 	snop  }
__scs_overlays_trampoline_lowered:
0x8: {  	[smem:$0x3FA9] =	sst s0  }
0x9: {  	[smem:$0x3FAA] =	sst s1  }
0xa: {  	[smem:$0x3FAB] =	sst s2  }
0xb: {  	[smem:$0x3FAC] =	sst s3  }
0xc: {  	[smem:$0x3FAD] =	sst s4  }
0xd: {  	[smem:$0x3FAE] =	sst s5  }
0xe: {  	[smem:$0x3FAF] =	sst s6  }
0xf: {  	[smem:$0x3FB0] =	sst s7  }
0x10: {  	[smem:$0x3FB1] =	sst s8  }
0x11: {  	[smem:$0x3FB2] =	sst s9;
	s0 =	simm.s32 @!p0 $0x0  }
0x12: {  	s1 =	sld [smem:$0x3F98];
	s0 =	simm.s32 @p0 $0x1  }
0x13: {  	[smem:$0x3FB3] =	sst s0;
	s0 =	simm.s32 @!p1 $0x0  }
0x14: {  	s2 =	sld [smem:$0x3F97];
	s0 =	simm.s32 @p1 $0x1  }
0x15: {  	[smem:$0x3FB4] =	sst s0;
	s0 =	simm.s32 @!p2 $0x0  }
0x16: {  	s3 =	sld [smem:$0x3FDB];
	s0 =	simm.s32 @p2 $0x1  }
0x17: {  	s4 =	simm.s32 $0x1BF5;
	[smem:$0x3FB6] =	sst s0  }
0x18: {  	s0 =	sld [smem:$0x3F99];
	_ =	swait.ge [sflag:s4], $0x0  }
0x19: {  	s7 =	sld [smem:$0x3F9A]  }
0x1a: {  	s8 =	sadd.s32 $0xFFFFE003, lr  }
0x1b: {  	s9 =	sadd.s32 $0xFFFFFEF7, lr;
	s5 =	simm.s32 $0xFFFFFFFF;
	p2 =	slt.u32 s8, $0xFFFFF086  }
0x1c: {  	p1 =	slt.u32 s9, $0xF7A;
	s5 =	simm.s32 @!p2 $0x0  }
0x1d: {  	s5 =	simm.s32 @p1 $0x1;
	p0 =	seq.s32 s7, s2  }
0x1e: {  	s7 =	smul.u32 @!p0 $0xF7A, s2;
	p2 =	seq.s32 @!p0 s5, $0x0  }
0x1f: {  	s9 =	smul.u32 $0xF7A, s1;
	s8 =	simm.s32 @!p0 $0x1BF5;
	p2 =	por !p2, p0  }
0x20: {  	[sflag:s8] =	ssyncset.s32 @!p0 $0xFFFFF086;
	s6 =	sadd.s32 @!p0 s3, s7;
	s7 =	simm.s32 @!p0 $0x108  }
0x21: {  	s3 =	sadd.s32 s3, s9;
	s6 =	sadd.s32 @!p0 $0x88, s6;
	s7 =	simm.s32 @p2 $0x1082  }
0x22: {  	[simem:s7], [sflag:s8] =	dma.local @!p0 [hbm:s6], $0xF7A  }
0x23: {  	s9 =	sor.u32 $0xD0000000, s2;
	s6 =	simm.s32 $0x108;
	_ =	swait.ge @!p0 [sflag:s8], $0x0  }
0x24: {  	s3 =	sadd.s32 $0x88, s3;
	s6 =	simm.s32 @!p1 $0x1082;
	[sflag:s4] =	ssyncset.s32 $0xFFFFF086  }
0x25: {  	[simem:s6], [sflag:s4] =	dma.local [hbm:s3], $0xF7A  }
0x26: {  	[smem:$0x3F9A] =	sst s1;
	(tag) =	ssettag s2;
	_ =	strace s9  }
0x27: {  	s1 =	sld [smem:$0x3FAA]  }
0x28: {  	s2 =	sld [smem:$0x3FAB]  }
0x29: {  	s4 =	sld [smem:$0x3FAD]  }
0x2a: {  	p0 =	seq.s32 s5, $0x0;
	s5 =	sld [smem:$0x3FAE]  }
0x2b: {  	s6 =	sld [smem:$0x3FAF]  }
0x2c: {  	s7 =	sld [smem:$0x3FB0]  }
0x2d: {  	s3 =	simm.s32 $0x108;
	s8 =	sld [smem:$0x3FB1]  }
0x2e: {  	s3 =	simm.s32 @!p0 $0x1082;
	s9 =	sld [smem:$0x3FB2]  }
0x2f: {  	lr =	sadd.s32 s0, s3;
	s0 =	sld [smem:$0x3FA9]  }
0x30: {  	s3 =	sld [smem:$0x3FAC]  }
0x31: {  	[smem:$0x3FB5] =	sst s10  }
0x32: {  	s10 =	sld [smem:$0x3FB3];
	_ =	sdelay $0x3  }
0x33: {  	p0 =	seq.s32 s10, $0x1;
	s10 =	sld [smem:$0x3FB5];
	_ =	sdelay $0x3  }
0x34: {  	[smem:$0x3FB5] =	sst s10  }
0x35: {  	s10 =	sld [smem:$0x3FB4];
	_ =	sdelay $0x3  }
0x36: {  	p1 =	seq.s32 s10, $0x1;
	s10 =	sld [smem:$0x3FB5];
	_ =	sdelay $0x3  }
0x37: {  	[smem:$0x3FB5] =	sst s10  }
0x38: {  	s10 =	sld [smem:$0x3FB6]  }
0x39: {  	_ = 	snop;
	(pc) =	sbr.ind lr, $3  }
0x3a: {  	_ = 	snop  }
0x3b: {  	_ = 	snop  }
0x3c: {  	p2 =	seq.s32 s10, $0x1;
	s10 =	sld [smem:$0x3FB5]  }
0x3d: {  	_ =	shalt  }
0x3e: {  	_ =	shalt  }
0x3f: {  	_ =	shalt  }
0x40: {  	_ =	shalt  }
0x41: {  	_ =	shalt  }
0x42: {  	_ =	shalt  }
0x43: {  	_ =	shalt  }
0x44: {  	_ =	shalt  }
0x45: {  	_ =	shalt  }
0x46: {  	_ =	shalt  }
0x47: {  	_ =	shalt  }
0x48: {  	_ =	shalt  }
0x49: {  	_ =	shalt  }
0x4a: {  	_ =	shalt  }
0x4b: {  	_ =	shalt  }
0x4c: {  	_ =	shalt  }
0x4d: {  	_ =	shalt  }
0x4e: {  	_ =	shalt  }
0x4f: {  	_ =	shalt  }
0x50: {  	_ =	shalt  }
0x51: {  	_ =	shalt  }
0x52: {  	_ =	shalt  }
0x53: {  	_ =	shalt  }
0x54: {  	_ =	shalt  }
0x55: {  	_ =	shalt  }
0x56: {  	_ =	shalt  }
0x57: {  	_ =	shalt  }
0x58: {  	_ =	shalt  }
0x59: {  	_ =	shalt  }
0x5a: {  	_ =	shalt  }
0x5b: {  	_ =	shalt  }
0x5c: {  	_ =	shalt  }
0x5d: {  	_ =	shalt  }
0x5e: {  	_ =	shalt  }
0x5f: {  	_ =	shalt  }
0x60: {  	_ =	shalt  }
0x61: {  	_ =	shalt  }
0x62: {  	_ =	shalt  }
0x63: {  	_ =	shalt  }
0x64: {  	_ =	shalt  }
0x65: {  	_ =	shalt  }
0x66: {  	_ =	shalt  }
0x67: {  	_ =	shalt  }
0x68: {  	_ =	shalt  }
0x69: {  	_ =	shalt  }
0x6a: {  	_ =	shalt  }
0x6b: {  	_ =	shalt  }
0x6c: {  	_ =	shalt  }
0x6d: {  	_ =	shalt  }
0x6e: {  	_ =	shalt  }
0x6f: {  	_ =	shalt  }
0x70: {  	_ =	shalt  }
0x71: {  	_ =	shalt  }
0x72: {  	_ =	shalt  }
0x73: {  	_ =	shalt  }
0x74: {  	_ =	shalt  }
0x75: {  	_ =	shalt  }
0x76: {  	_ =	shalt  }
0x77: {  	_ =	shalt  }
0x78: {  	_ =	shalt  }
0x79: {  	_ =	shalt  }
0x7a: {  	_ =	shalt  }
0x7b: {  	_ =	shalt  }
0x7c: {  	_ =	shalt  }
0x7d: {  	_ =	shalt  }
0x7e: {  	_ =	shalt  }
0x7f: {  	_ =	shalt  }
0x80: {  	_ =	shalt  }
0x81: {  	_ =	shalt  }
0x82: {  	_ =	shalt  }
0x83: {  	_ =	shalt  }
0x84: {  	_ =	shalt  }
0x85: {  	_ =	shalt  }
0x86: {  	_ =	shalt  }
0x87: {  	_ =	shalt  }
.Lfunc_end0:
.L_simem_size_0:
called_computation_lowered:
.L_overlay_start_0:
0x88: {  	s2 =	sld [smem:$0x3FD9]  }
0x89: {  	s3 =	sld [smem:$0x3FFE];
	_ =	sdelay $0x1  }
0x8a: {  	s1 =	srdreg.scid  }
0x8b: {  	s0 =	sand.u32 $0x1, s1  }
0x8c: {  	s18 =	sshll.u32 s0, $0xA;
	s2 =	sadd.s32 s3, s2  }
0x8d: {  	s2 =	sadd.s32 s2, s18  }
0x8e: {  	[smem:$0x3FC1] =	sst s2  }
0x8f: {  	_ = 	snop  }
0x90: {  	s2 =	sld [smem:$0x3FC7]  }
0x91: {  	s19 =	sld [smem:$0x3FC6]  }
0x92: {  	s4 =	sld [smem:$0x3FD0];
	(tm) =	ssettm $0x1  }
0x93: {  	s5 =	sld [smem:$0x3FFB];
	_ =	sdelay $0x3  }
0x94: {  	_ =	strace s5  }
0x95: {  	s5 =	sld [smem:$0x3FFC];
	_ =	sdelay $0x3  }
0x96: {  	_ =	strace s5  }
0x97: {  	s5 =	sld [smem:$0x3FFD];
	_ =	sdelay $0x3  }
0x98: {  	_ =	strace s5  }
0x99: {  	_ =	strace $0x8FFFFFFF  }
0x9a: {  	s20 =	sld [smem:$0x3FDB];
	_ =	sdelay $0x1  }
0x9b: {  	s6 =	simm.s32 $_scs_section_size  }
0x9c: {  	s7 =	simm.s32 $_size__tile_overlayer_lowered;
	s8 =	simm.s32 $_tile_overlayer_lowered  }
0x9d: {  	s23 =	simm.s32 $0x1BFF;
	s22 =	sshll.u32 s8, $0x1;
	s5 =	sadd.s32 s6, s20  }
0x9e: {  	s9 =	simm.s32 $0x0;
	s21 =	sshll.u32 s7, $0x1;
	s7 =	sadd.s32 s22, s5  }
0x9f: {  	[timem:s9], [sflag:s23] =	dma.local [hbm:s7], s21  }
0xa0: {  	_ =	swait.ge [sflag:s23], s21  }
0xa1: {  	s6 =	ssub.s32 $0x0, s21;
	[sflag:s23] =	ssyncset.done $0x0  }
0xa2: {  	[sflag:s23] =	ssyncadd.s32 s6;
	_ =	sdelay $0x1  }
0xa3: {  	s24 =	simm.s32 $0x1B8B  }
0xa4: {  	_ =	swait.ge [sflag:s24], $0x1  }
0xa5: {  	[sflag:s24] =	ssyncset.done $0x0  }
0xa6: {  	s25 =	simm.s32 $0x1B8E;
	[sflag:s24] =	ssyncadd.s32 $0xFFFFFFFF  }
0xa7: {  	s26 =	simm.s32 $execute0_lowered;
	[smem:$0x3FD2] =	sst s25  }
0xa8: {  	s6 =	sshll.u32 s26, $0x1;
	_ =	strace $0x80000046;
	[dreg:$0x1] =	wrdreg $0xFFFFFFFF  }
0xa9: {  	s28 =	simm.s32 $_size_execute0_lowered;
	s5 =	sadd.s32 s5, s6;
	[dreg:$0x0] =	wrdreg $0x0  }
0xaa: {  	s6 =	sshll.u32 s28, $0x1;
	[dreg:$0x2] =	wrdreg s5  }
0xab: {  	[dreg:$0x3] =	wrdreg s6  }
0xac: {  	[dreg:$0x4] =	wrdreg $0xC0  }
0xad: {  	_ =	task [dreg:s9], $0x5FFFF  }
0xae: {  	[dreg:$0x1] =	wrdreg $0xFFFFFFFF  }
0xaf: {  	[dreg:$0x0] =	wrdreg $0x60  }
0xb0: {  	[dreg:$0x2] =	wrdreg s19  }
0xb1: {  	[dreg:$0x3] =	wrdreg s2  }
0xb2: {  	[dreg:$0x4] =	wrdreg s4  }
0xb3: {  	[dreg:$0x5] =	wrdreg $0x4000  }
0xb4: {  	[dreg:$0x6] =	wrdreg $0x4080  }
0xb5: {  	[dreg:$0x7] =	wrdreg $0x9  }
0xb6: {  	_ =	task.clear_ibuf [dreg:s9], $0x8FFFF;
	_ =	strace $0x90000046  }
0xb7: {  	s29 =	simm.s32 $0x9;
	_ =	strace $0x80000048  }
0xb8: {  	_ =	swait.ge [sflag:s29], $0x1  }
0xb9: {  	[sflag:s29] =	ssyncadd.s32 $0xFFFFFFFF  }
0xba: {  	_ =	strace $0x90000048  }
0xbb: {  	_ =	sfence  }
0xbc: {  	s30 =	sld [smem:$0x0];
	_ =	sdelay $0x2  }
0xbd: {  	s31 =	sshll.u32 s1, $0xD;
	s1 =	sshrl.u32 s1, $0x2  }
0xbe: {  	s3 =	sand.u32 $0x4000, s31;
	s1 =	sadd.s32 s1, s30  }
0xbf: {  	s0 =	sor.u32 s3, s0;
	s1 =	sshll.u32 s1, $0x11  }
0xc0: {  	s0 =	sor.u32 s1, s0  }
0xc1: {  	s0 =	sadd.s32 $0x8F2B, s0  }
0xc2: {  	[sflag:s0] =	ssyncadd.remote.s32 $0x1  }
0xc3: {  	_ =	sfence.sel $0xFFFF  }
0xc4: {  	[dreg:$0x0] =	wrdreg $0xFFFFFFFF;
	(pc) =	sbr.abs _section_cstart, $3  }
0xc5: {  	[dreg:$0x1] =	wrdreg $0xFFFFFFFF  }
0xc6: {  	_ =	task.clear_ibuf [dreg:s9], $0x2FFFF;
	_ =	strace $0x9FFFFFFF  }
0xc7: {  	(tm) =	ssettm $0x7FFFFFFF  }
tec
execute0_lowered:
.L_overlay_start_1:
0x0: {  	(tag) =	ssettag $0x1  }
0x1: {  	s2 =	srdreg.scid  }
0x2: {  	s7 =	sand.u32 $0x1, s2;
	s2 =	stileid.u32  }
0x3: {  	s8 =	sshll.u32 s2, $0x1;
	s9 =	ssub.s32 $0x0, s7  }
0x4: {  	s0 =	rddreg [dreg:$0x0];
	p0 =	sne.s32 s8, s9  }
.Ltmp0:
0x5: {  	s1 =	rddreg [dreg:$0x1];
	(pc) =	sbr.rel @p0 .LBB2_3-.Ltmp0, $4  }
0x6: {  	s3 =	rddreg [dreg:$0x2]  }
0x7: {  	s5 =	rddreg [dreg:$0x3]  }
0x8: {  	s6 =	rddreg [dreg:$0x4]  }
0x9: {  	s4 =	rddreg [dreg:$0x5];
	_ =	strace $0x80000047  }
0xa: {  	v0 =	vimm.s32 $0xFFEDCBA9;
	v1 =	vimm.s32 $0x87654321  }
0xb: {  	v0 =	vunpack.c.l.s4.s8 v0;
	v1 =	vunpack.c.l.s4.s8 v1;
	_ =	sdelay $0x1  }
0xc: {  	v0 =	vunpack.c.0.s8.s32 v0;
	v1 =	vunpack.c.0.s8.s32 v1;
	_ =	sdelay $0x1  }
0xd: {  	v2 =	vcombine.low v1, v0;
	v0 =	vimm.s32 $0xFFFEDCBA;
	v1 =	vimm.s32 $0x98765432  }
0xe: {  	v5 =	vimm.s32 $0xA9876543;
	v3 =	vunpack.c.l.s4.s8 v0;
	v4 =	vunpack.c.l.s4.s8 v1  }
0xf: {  	vm0 =	vmmov $0xffff;
	v6 =	vimm.s32 $0xBA987654;
	v5 =	vunpack.c.l.s4.s8 v5  }
0x10: {  	vm1 =	vcmask $0x1F00;
	v3 =	vunpack.c.0.s8.s32 v3;
	v4 =	vunpack.c.0.s8.s32 v4  }
0x11: {  	vm2 =	vcmask $0x2F20;
	v7 =	vimm.s32 $0xDCBA9876;
	v5 =	vunpack.c.0.s8.s32 v5  }
0x12: {  	v8 =	vimm.s32 $0xF0E0D0C;
	v3 =	vcombine.low v4, v3;
	v4 =	vimm.s32 $0xE0D0C0B  }
0x13: {  	v6 =	vunpack.c.l.s4.s8 v6;
	v5 =	vand.u32 $0xF, v5;
	v4 =	vunpack.c.0.s8.s32 v4  }
0x14: {  	v10 =	vimm.s32 $0xF0F0E0D;
	v7 =	vunpack.c.l.s4.s8 v7;
	v5 =	vnsel vm1, $0xF, v5  }
0x15: {  	v6 =	vunpack.c.0.s8.s32 v6;
	v4 =	vsel vm2, v4, v5;
	v5 =	vimm.s32 $0xCBA98765  }
0x16: {  	v16 =	vlaneseq.u32;
	v7 =	vunpack.c.0.s8.s32 v7;
	v5 =	vunpack.c.l.s4.s8 v5  }
0x17: {  	v8 =	vunpack.c.0.s8.s32 v8;
	v14 =	vand.u32 $0x7, v16;
	v6 =	vand.u32 $0xF, v6  }
0x18: {  	v7 =	vand.u32 $0xF, v7;
	v9 =	vunpack.c.0.s8.s32 v5;
	v5 =	vimm.s32 $0xEDCBA987  }
0x19: {  	v0 =	vimm.s32 $0x0;
	v6 =	vnsel vm1, $0xF, v6;
	v11 =	vunpack.c.l.s4.s8 v5  }
0x1a: {  	v5 =	vsel vm2, v8, v6;
	v8 =	vunpack.c.0.s8.s32 v10;
	v6 =	vand.u32 $0xF, v9  }
0x1b: {  	s7 =	ssub.s32 $0x2, s7;
	s9 =	simm.s32 $0x2;
	s10 =	simm.s32 $0x410;
	v1 =	vimm.s32 $0x1;
	v2 =	vand.u32 $0xF, v2;
	v6 =	vnsel vm1, $0xF, v6  }
0x1c: {  	s11 =	simm.s32 $0x200;
	s12 =	simm.s32 $0x1;
	s13 =	simm.s32 $0x490;
	v3 =	vand.u32 $0xF, v3;
	v9 =	vunpack.c.0.s8.s32 v11;
	v6 =	vsel vm2, v8, v6  }
0x1d: {  	s14 =	simm.s32 $0x610;
	s15 =	simm.s32 $0xE10;
	s16 =	simm.s32 $0x1610;
	v8 =	vnsel vm1, $0xF, v7;
	vm2 =	vcmask $0x2320;
	v7 =	vshrl.u32 v16, $0x3  }
0x1e: {  	s17 =	simm.s32 $0x1E10;
	s18 =	simm.s32 $0x2610;
	s8 =	sshrl.u32 s7, $0x1;
	v16 =	vor.u32 $0x8, v16;
	v9 =	vand.u32 $0xF, v9;
	v8 =	vsel vm2, $0xE, v8  }
0x1f: {  	s19 =	simm.s32 $0x2E10;
	s20 =	simm.s32 $0x3610;
	s7 =	ssub.s32 s7, s8;
	v10 =	vadd.s32 $0xFFFFFFFF, v7;
	v11 =	vor.u32 $0x2, v7;
	v12 =	vor.u32 $0x4, v7  }
0x20: {  	s21 =	simm.s32 $0x3E10;
	s8 =	simm.s32 $0x0;
	s7 =	smax.u32 s7, $0x1;
	v13 =	vor.u32 $0x6, v7;
	v15 =	vmul.u32 $0x8, v7;
	v9 =	vnsel vm1, $0xF, v9  }
.LBB2_2:
0x21: {  	[tilespmem:s8], [sflag:$0x2] =	stream.linear.gather [hbm4b:s0+s8], $0x200, $0x38;
	[tilespmem:$0x4610] =	vst v63  }
0x22: {  	_ =	swait.ge [sflag:s9], $0x200  }
0x23: {  	[sflag:s9] =	ssyncset.done $0x0  }
0x24: {  	[sflag:s9] =	ssyncadd.s32 $0xFFFFFE00  }
0x25: {  	[tilespmem:$0x410] =	vst v0  }
0x26: {  	[spmem:s5] =	stream.linear.scatter [tilespmem:s10], [sflag:$0x2], $0x80, $0x38;
	[tilespmem:$0x4610] =	vst v63  }
0x27: {  	_ =	swait.ge [sflag:s9], $0x80  }
0x28: {  	[sflag:s9] =	ssyncset.done $0x0  }
0x29: {  	[sflag:s9] =	ssyncadd.s32 $0xFFFFFF80  }
0x2a: {  	[spmem:s6] =	stream.linear.scatter [tilespmem:s10], [sflag:$0x2], $0x80, $0x38;
	[tilespmem:$0x4610] =	vst v63  }
0x2b: {  	_ =	swait.ge [sflag:s9], $0x80  }
0x2c: {  	[sflag:s9] =	ssyncset.done $0x0  }
0x2d: {  	[sflag:s9] =	ssyncadd.s32 $0xFFFFFF80  }
0x2e: {  	[tilespmem:$0x200] =	vst v1  }
0x2f: {  	[tilespmem:$0x210] =	vst v1  }
0x30: {  	[tilespmem:$0x220] =	vst v1  }
0x31: {  	[tilespmem:$0x230] =	vst v1  }
0x32: {  	[tilespmem:$0x240] =	vst v1  }
0x33: {  	[tilespmem:$0x250] =	vst v1  }
0x34: {  	[tilespmem:$0x260] =	vst v1  }
0x35: {  	[tilespmem:$0x270] =	vst v1  }
0x36: {  	[tilespmem:$0x280] =	vst v1  }
0x37: {  	[tilespmem:$0x290] =	vst v1  }
0x38: {  	[tilespmem:$0x2A0] =	vst v1  }
0x39: {  	[tilespmem:$0x2B0] =	vst v1  }
0x3a: {  	[tilespmem:$0x2C0] =	vst v1  }
0x3b: {  	[tilespmem:$0x2D0] =	vst v1  }
0x3c: {  	[tilespmem:$0x2E0] =	vst v1  }
0x3d: {  	[tilespmem:$0x2F0] =	vst v1  }
0x3e: {  	[tilespmem:$0x300] =	vst v1  }
0x3f: {  	[tilespmem:$0x310] =	vst v1  }
0x40: {  	[tilespmem:$0x320] =	vst v1  }
0x41: {  	[tilespmem:$0x330] =	vst v1  }
0x42: {  	[tilespmem:$0x340] =	vst v1  }
0x43: {  	[tilespmem:$0x350] =	vst v1  }
0x44: {  	[tilespmem:$0x360] =	vst v1  }
0x45: {  	[tilespmem:$0x370] =	vst v1  }
0x46: {  	[tilespmem:$0x380] =	vst v1  }
0x47: {  	[tilespmem:$0x390] =	vst v1  }
0x48: {  	[tilespmem:$0x3A0] =	vst v1  }
0x49: {  	[tilespmem:$0x3B0] =	vst v1  }
0x4a: {  	[tilespmem:$0x3C0] =	vst v1  }
0x4b: {  	[tilespmem:$0x3D0] =	vst v1  }
0x4c: {  	[tilespmem:$0x3E0] =	vst v1  }
0x4d: {  	[tilespmem:$0x3F0] =	vst v1  }
0x4e: {  	[spmem:s5] =	stream.indirect.scatter.add.s32 [tilespmem:s11], [sflag:$0x1], $0x1, s8, s11, $0xb8;
	[tilespmem:$0x4610] =	vst v63  }
0x4f: {  	_ =	swait.ge [sflag:s12], $0x200  }
0x50: {  	[sflag:s12] =	ssyncset.done $0x0  }
0x51: {  	[sflag:s12] =	ssyncadd.s32 $0xFFFFFE00  }
0x52: {  	[tilespmem:s10], [sflag:$0x2] =	stream.linear.gather [spmem:s5], $0x80, $0x38;
	[tilespmem:$0x4610] =	vst v63  }
0x53: {  	_ =	swait.ge [sflag:s9], $0x80  }
0x54: {  	[sflag:s9] =	ssyncset.done $0x0  }
0x55: {  	[sflag:s9] =	ssyncadd.s32 $0xFFFFFF80  }
0x56: {  	[spmem:s6] =	stream.indirect_vreg.scatter.add.s32 [tilespmem:s10], [sflag:$0x1], $0x1, v2, vm0, $0xb8;
	[tilespmem:$0x4610] =	vst v63  }
0x57: {  	_ = 	snop  }
0x58: {  	[spmem:s6] =	stream.indirect_vreg.scatter.add.s32 [tilespmem:s10], [sflag:$0x1], $0x1, v3, vm0, $0xb8;
	[tilespmem:$0x4610] =	vst v63  }
0x59: {  	_ = 	snop  }
0x5a: {  	[spmem:s6] =	stream.indirect_vreg.scatter.add.s32 [tilespmem:s10], [sflag:$0x1], $0x1, v4, vm0, $0xb8;
	[tilespmem:$0x4610] =	vst v63  }
0x5b: {  	_ = 	snop  }
0x5c: {  	[spmem:s6] =	stream.indirect_vreg.scatter.add.s32 [tilespmem:s10], [sflag:$0x1], $0x1, v5, vm0, $0xb8;
	[tilespmem:$0x4610] =	vst v63  }
0x5d: {  	_ = 	snop  }
0x5e: {  	[spmem:s6] =	stream.indirect_vreg.scatter.add.s32 [tilespmem:s10], [sflag:$0x1], $0x1, v6, vm0, $0xb8;
	[tilespmem:$0x4610] =	vst v63  }
0x5f: {  	_ = 	snop  }
0x60: {  	[spmem:s6] =	stream.indirect_vreg.scatter.add.s32 [tilespmem:s10], [sflag:$0x1], $0x1, v8, vm0, $0xb8;
	[tilespmem:$0x4610] =	vst v63  }
0x61: {  	_ = 	snop  }
0x62: {  	[spmem:s6] =	stream.indirect_vreg.scatter.add.s32 [tilespmem:s10], [sflag:$0x1], $0x1, v9, vm0, $0xb8;
	[tilespmem:$0x4610] =	vst v63  }
0x63: {  	_ =	swait.ge [sflag:s12], $0x10  }
0x64: {  	[sflag:s12] =	ssyncset.done $0x0  }
0x65: {  	[sflag:s12] =	ssyncadd.s32 $0xFFFFFFF0  }
0x66: {  	_ =	swait.ge [sflag:s12], $0x10  }
0x67: {  	[sflag:s12] =	ssyncset.done $0x0  }
0x68: {  	[sflag:s12] =	ssyncadd.s32 $0xFFFFFFF0  }
0x69: {  	_ =	swait.ge [sflag:s12], $0x10  }
0x6a: {  	[sflag:s12] =	ssyncset.done $0x0  }
0x6b: {  	[sflag:s12] =	ssyncadd.s32 $0xFFFFFFF0  }
0x6c: {  	_ =	swait.ge [sflag:s12], $0x10  }
0x6d: {  	[sflag:s12] =	ssyncset.done $0x0  }
0x6e: {  	[sflag:s12] =	ssyncadd.s32 $0xFFFFFFF0  }
0x6f: {  	_ =	swait.ge [sflag:s12], $0x10  }
0x70: {  	[sflag:s12] =	ssyncset.done $0x0  }
0x71: {  	[sflag:s12] =	ssyncadd.s32 $0xFFFFFFF0  }
0x72: {  	_ =	swait.ge [sflag:s12], $0x10  }
0x73: {  	[sflag:s12] =	ssyncset.done $0x0  }
0x74: {  	[sflag:s12] =	ssyncadd.s32 $0xFFFFFFF0  }
0x75: {  	_ =	swait.ge [sflag:s12], $0x10  }
0x76: {  	[sflag:s12] =	ssyncset.done $0x0  }
0x77: {  	[sflag:s12] =	ssyncadd.s32 $0xFFFFFFF0  }
0x78: {  	[tilespmem:s13], [sflag:$0x2] =	stream.linear.gather [spmem:s6], $0x80, $0x38;
	[tilespmem:$0x4610] =	vst v63  }
0x79: {  	_ =	swait.ge [sflag:s9], $0x80  }
0x7a: {  	[sflag:s9] =	ssyncset.done $0x0  }
0x7b: {  	[sflag:s9] =	ssyncadd.s32 $0xFFFFFF80  }
0x7c: {  	v17 =	vld [tilespmem:$0x490];
	_ =	sdelay $0x4  }
0x7d: {  	[tilespmem:$0x510] =	vst v0;
	v17 =	vand.u32 v10, v17  }
0x7e: {  	[tilespmem:$0x518] =	vst v17  }
0x7f: {  	v18 =	vld [tilespmem:$0x510];
	_ =	sdelay $0x4  }
0x80: {  	v17 =	vadd.s32 v17, v18  }
0x81: {  	v18 =	vadd.s32 v7, v17  }
0x82: {  	vm1 =	vlt.s32 v18, $0x1FF  }
0x83: {  	v18 =	vnsel vm1, $0x1FF, v18  }
0x84: {  	v19 =	vshll.u32 v18, $0x1  }
0x85: {  	v20 =	vand.u32 $0x7, v18;
	v19 =	vand.u32 $0xFFFFFFF0, v19  }
0x86: {  	v19 =	vor.u32 v20, v19  }
0x87: {  	v21 =	vperm.xlane v19, v14  }
0x88: {  	v63 =	vadd.s32 v11, v17;
	v22 =	vadd.s32 v12, v17  }
0x89: {  	vm1 =	vlt.s32 v63, $0x1FF;
	v19 =	vperm.xlane v19, v16;
	v21 =	vadd.s32 v15, v21  }
0x8a: {  	v17 =	vadd.s32 v13, v17;
	[tilespmem:$0x590] =	vst v18;
	v18 =	vnsel vm1, $0x1FF, v63;
	vm1 =	vlt.s32 v22, $0x1FF  }
0x8b: {  	[tilespmem:$0x5A0] =	vst v18;
	v18 =	vnsel vm1, $0x1FF, v22;
	vm1 =	vlt.s32 v17, $0x1FF;
	v19 =	vadd.s32 v15, v19  }
0x8c: {  	[tilespmem:$0x5B0] =	vst v18;
	v17 =	vnsel vm1, $0x1FF, v17  }
0x8d: {  	[tilespmem:$0x5C0] =	vst v17  }
0x8e: {  	[tilespmem:s14], [sflag:$0x1] =	stream.indirect_vreg.gather [hbm4b:s1+s8], $0x80, v21, vm0, $0xb8;
	[tilespmem:$0x4610] =	vst v63  }
0x8f: {  	_ = 	snop  }
0x90: {  	[tilespmem:s15], [sflag:$0x1] =	stream.indirect_vreg.gather [hbm4b:s1+s8], $0x80, v19, vm0, $0xb8;
	[tilespmem:$0x4610] =	vst v63  }
0x91: {  	v17 =	vld [tilespmem:$0x5A0];
	_ =	sdelay $0x4  }
0x92: {  	v18 =	vshll.u32 v17, $0x1  }
0x93: {  	v17 =	vand.u32 $0x7, v17;
	v18 =	vand.u32 $0xFFFFFFF0, v18  }
0x94: {  	v17 =	vor.u32 v17, v18  }
0x95: {  	v18 =	vperm.xlane v17, v14;
	_ =	sdelay $0x1  }
0x96: {  	v17 =	vperm.xlane v17, v16;
	v18 =	vadd.s32 v15, v18;
	_ =	sdelay $0x1  }
0x97: {  	v17 =	vadd.s32 v15, v17;
	_ =	sdelay $0x2  }
0x98: {  	[tilespmem:s16], [sflag:$0x1] =	stream.indirect_vreg.gather [hbm4b:s1+s8], $0x80, v18, vm0, $0xb8;
	[tilespmem:$0x4610] =	vst v63  }
0x99: {  	_ = 	snop  }
0x9a: {  	[tilespmem:s17], [sflag:$0x1] =	stream.indirect_vreg.gather [hbm4b:s1+s8], $0x80, v17, vm0, $0xb8;
	[tilespmem:$0x4610] =	vst v63  }
0x9b: {  	v17 =	vld [tilespmem:$0x5B0];
	_ =	sdelay $0x4  }
0x9c: {  	v18 =	vshll.u32 v17, $0x1  }
0x9d: {  	v17 =	vand.u32 $0x7, v17;
	v18 =	vand.u32 $0xFFFFFFF0, v18  }
0x9e: {  	v17 =	vor.u32 v17, v18  }
0x9f: {  	v18 =	vperm.xlane v17, v14;
	_ =	sdelay $0x1  }
0xa0: {  	v17 =	vperm.xlane v17, v16;
	v18 =	vadd.s32 v15, v18;
	_ =	sdelay $0x1  }
0xa1: {  	v17 =	vadd.s32 v15, v17;
	_ =	sdelay $0x2  }
0xa2: {  	[tilespmem:s18], [sflag:$0x1] =	stream.indirect_vreg.gather [hbm4b:s1+s8], $0x80, v18, vm0, $0xb8;
	[tilespmem:$0x4610] =	vst v63  }
0xa3: {  	_ = 	snop  }
0xa4: {  	[tilespmem:s19], [sflag:$0x1] =	stream.indirect_vreg.gather [hbm4b:s1+s8], $0x80, v17, vm0, $0xb8;
	[tilespmem:$0x4610] =	vst v63  }
0xa5: {  	v17 =	vld [tilespmem:$0x5C0];
	_ =	sdelay $0x4  }
0xa6: {  	v18 =	vshll.u32 v17, $0x1  }
0xa7: {  	v17 =	vand.u32 $0x7, v17;
	v18 =	vand.u32 $0xFFFFFFF0, v18  }
0xa8: {  	v17 =	vor.u32 v17, v18  }
0xa9: {  	v18 =	vperm.xlane v17, v14;
	_ =	sdelay $0x1  }
0xaa: {  	v17 =	vperm.xlane v17, v16;
	v18 =	vadd.s32 v15, v18;
	_ =	sdelay $0x1  }
0xab: {  	v17 =	vadd.s32 v15, v17;
	_ =	sdelay $0x2  }
0xac: {  	[tilespmem:s20], [sflag:$0x1] =	stream.indirect_vreg.gather [hbm4b:s1+s8], $0x80, v18, vm0, $0xb8;
	[tilespmem:$0x4610] =	vst v63  }
0xad: {  	_ = 	snop  }
0xae: {  	[tilespmem:s21], [sflag:$0x1] =	stream.indirect_vreg.gather [hbm4b:s1+s8], $0x80, v17, vm0, $0xb8;
	[tilespmem:$0x4610] =	vst v63  }
0xaf: {  	_ =	swait.ge [sflag:s12], $0x4000  }
0xb0: {  	p0 =	sne.s32 s7, $0x1;
	[sflag:s12] =	ssyncset.done $0x0  }
.Ltmp1:
0xb1: {  	[sflag:s12] =	ssyncadd.s32 $0xFFFFC000;
	(pc) =	sbr.rel @p0 .LBB2_2-.Ltmp1, $4  }
0xb2: {  	[hbm4b:s3+s8] =	stream.linear.scatter [tilespmem:s14], [sflag:$0x2], $0x4000, $0x38;
	[tilespmem:$0x4610] =	vst v63  }
0xb3: {  	_ =	swait.ge [sflag:s9], $0x4000  }
0xb4: {  	[sflag:s9] =	ssyncset.done $0x0  }
0xb5: {  	s7 =	sadd.s32 $0xFFFFFFFF, s7;
	[sflag:s9] =	ssyncadd.s32 $0xFFFFC000  }
.LBB2_3:
0xb6: {  	_ =	sfence.sel $0x180000  }
0xb7: {  	[bflag:$0x0] =	sbarrier.arrive $0xFFFF  }
0xb8: {  	p0 =	sne.s32 s2, $0x0;
	_ =	strace $0x90000047  }
0xb9: {  	s0 =	sadd.s32 @!p0 $0x100000, s4;
	[bflag:$0x2] =	sbarrier.arrive $0xFFFF  }
0xba: {  	[sflag:s0] =	ssyncadd.tile.s32 @!p0 $0x1;
	_ =	shalt  }
.Lfunc_end2:
_tile_overlayer_lowered:
.L_overlay_start_2:
0xbb: {  	(tag) =	ssettag $0x2  }
0xbc: {  	s0 =	rddreg [dreg:$0x0];
	s2 =	stileid.u32  }
0xbd: {  	s1 =	rddreg [dreg:$0x1];
	p0 =	sne.s32 s2, $0x0  }
0xbe: {  	s3 =	rddreg [dreg:$0x2];
	[bflag:$0x3] =	sbarrier.arrive $0xFFFF;
	s2 =	simm.s32 @!p0 $0x1C02  }
0xbf: {  	[timem:s3], [sflag:s2] =	dma.local @!p0 [hbm:s0], s1  }
0xc0: {  	s0 =	simm.s32 @!p0 $0x2  }
0xc1: {  	_ =	swait.ge @!p0 [sflag:s0], s1  }
0xc2: {  	s1 =	ssub.s32 @!p0 $0x0, s1;
	[sflag:s0] =	ssyncset.done @!p0 $0x0  }
0xc3: {  	[sflag:s0] =	ssyncadd.s32 @!p0 s1  }
0xc4: {  	[bflag:$0x3] =	sbarrier.arrive $0xFFFF  }
0xc5: {  	_ =	shalt  }

</sc_bundles>
